<compile_context>
chip_gen: v7x
topology: tpu7x:2x2x1
jax: 0.10.2.dev20260603
libtpu: 0.0.44.dev20260713+nightly
codegen_flags: <defaults>
</compile_context>

<pallas_src>
import jax
import jax.numpy as jnp
from jax import lax
from jax.experimental import pallas as pl
from jax.experimental.pallas import tpu as pltpu
from jax.experimental.pallas import tpu_sc as plsc

N_NODES = 10000
N_FEATS = 128
N_EDGES = 320000

NC = 2
NS = 16
NW = NC * NS
EDGES_PER_TILE = N_EDGES // NW
CHUNK = 50
CHUNKS_PER_TILE = EDGES_PER_TILE // CHUNK
IDXG = 40
N_GROUPS = CHUNKS_PER_TILE // IDXG
INNER = 8
NBUF = 4
LOOKAHEAD = 3
LANES = 16
CP_ROWS = 200
CP_CHUNKS = N_NODES // CP_ROWS
CP_ROUNDS = -(-CP_CHUNKS // NS)

_MESH = plsc.VectorSubcoreMesh(
    core_axis_name="c", subcore_axis_name="s", num_cores=NC, num_subcores=NS)
_SC_PARAMS = pltpu.CompilerParams(needs_layout_passes=False)


HIST_ROWS = 80


def _degrees_body(edges_hbm, out_src, out_dst,
                  idx_v, hist2d, idn_v, hsh_src, hsh_dst):
    c = lax.axis_index("c")
    s = lax.axis_index("s")
    wid = c * NS + s
    base = wid * EDGES_PER_TILE
    ones = jnp.full((LANES,), 1.0, jnp.float32)
    zeros = jnp.zeros((LANES,), jnp.float32)

    def zero_hist(i, _):
        for k in range(N_FEATS // LANES):
            hist2d[i, pl.ds(k * LANES, LANES)] = zeros
        return 0

    def fill_idn(i, _):
        idn_v[pl.ds(i * LANES, LANES)] = lax.iota(jnp.int32, LANES) + i * LANES
        return 0

    lax.fori_loop(0, HIST_ROWS, zero_hist, 0)
    lax.fori_loop(0, HIST_ROWS // LANES, fill_idn, 0)

    @pl.when(s == 0)
    def _():
        pltpu.sync_copy(hist2d, hsh_src)
        pltpu.sync_copy(hist2d, hsh_dst)

    plsc.subcore_barrier()

    def one_endpoint(ep_base, hist_sh, out_hbm, rezero):
        pltpu.sync_copy(edges_hbm.at[pl.ds(ep_base + base, EDGES_PER_TILE)],
                        idx_v)

        def add_step(i, _):
            for u in range(5):
                idx = idx_v[pl.ds(i * (5 * LANES) + u * LANES, LANES)]
                plsc.addupdate_scatter(hist2d, [idx >> 7, idx & 127], ones)
            return 0

        lax.fori_loop(0, EDGES_PER_TILE // (5 * LANES), add_step, 0)
        pltpu.sync_copy(hist2d, hist_sh.at[idn_v], add=True)
        if rezero:
            lax.fori_loop(0, HIST_ROWS, zero_hist, 0)
        plsc.subcore_barrier()

        @pl.when(s == 0)
        def _():
            pltpu.sync_copy(hist_sh, out_hbm.at[c])

    one_endpoint(0, hsh_src, out_src, True)
    one_endpoint(N_EDGES, hsh_dst, out_dst, False)


def _degrees(edges_flat):
    return pl.kernel(
        _degrees_body,
        out_type=(
            jax.ShapeDtypeStruct((NC, HIST_ROWS, N_FEATS), jnp.float32),
            jax.ShapeDtypeStruct((NC, HIST_ROWS, N_FEATS), jnp.float32),
        ),
        mesh=_MESH,
        scratch_types=[
            pltpu.VMEM((EDGES_PER_TILE,), jnp.int32),
            pltpu.VMEM((HIST_ROWS, N_FEATS), jnp.float32),
            pltpu.VMEM((HIST_ROWS,), jnp.int32),
            pltpu.VMEM_SHARED((HIST_ROWS, N_FEATS), jnp.float32),
            pltpu.VMEM_SHARED((HIST_ROWS, N_FEATS), jnp.float32),
        ],
        compiler_params=_SC_PARAMS,
    )(edges_flat)


_MM_BLK = 1000


def _norms_body(hs_ref, hd_ref, ns_ref, nd_ref):
    def norm(h2):
        deg = (h2[0] + h2[1]).reshape(HIST_ROWS * N_FEATS)[:N_NODES]
        return lax.rsqrt(jnp.maximum(deg, 1.0))[:, None]

    ns_ref[...] = norm(hs_ref[...])
    nd_ref[...] = norm(hd_ref[...])


def _norms(hist_src, hist_dst):
    return pl.pallas_call(
        _norms_body,
        out_shape=(
            jax.ShapeDtypeStruct((N_NODES, 1), jnp.float32),
            jax.ShapeDtypeStruct((N_NODES, 1), jnp.float32),
        ),
    )(hist_src, hist_dst)


def _matmul_body(x_ref, n1_ref, w_ref, h_ref):
    h_ref[...] = jnp.dot(x_ref[...] * n1_ref[...], w_ref[...],
                         preferred_element_type=jnp.float32)


def _matmul(features, norm_src, weight):
    return pl.pallas_call(
        _matmul_body,
        grid=(N_NODES // _MM_BLK,),
        in_specs=[
            pl.BlockSpec((_MM_BLK, N_FEATS), lambda i: (i, 0)),
            pl.BlockSpec((_MM_BLK, 1), lambda i: (i, 0)),
            pl.BlockSpec((N_FEATS, N_FEATS), lambda i: (0, 0)),
        ],
        out_specs=pl.BlockSpec((_MM_BLK, N_FEATS), lambda i: (i, 0)),
        out_shape=jax.ShapeDtypeStruct((N_NODES, N_FEATS), jnp.float32),
    )(features, norm_src, weight)


def _message_body(h_hbm, e3d_hbm, zeros_hbm, out_hbm,
                  srcblk, dstblk, rows, acc_sh,
                  gsem0, gsem1, gsem2, gsem3,
                  ssem0, ssem1, ssem2, ssem3, isrc, idst):
    c = lax.axis_index("c")
    s = lax.axis_index("s")
    wid = c * NS + s

    for j in range(CP_ROUNDS):
        cid = s + NS * j

        @pl.when(cid < CP_CHUNKS)
        def _():
            pltpu.sync_copy(zeros_hbm, acc_sh.at[pl.ds(cid * CP_ROWS, CP_ROWS)])

    gsems = (gsem0, gsem1, gsem2, gsem3)
    ssems = (ssem0, ssem1, ssem2, ssem3)
    base = wid * CHUNKS_PER_TILE

    def gather(slot, j, b):
        return pltpu.async_copy(h_hbm.at[srcblk.at[slot, j]], rows.at[b],
                                gsems[b])

    def wait_gather(b):
        pltpu.make_async_copy(h_hbm.at[srcblk.at[0, 0]], rows.at[b],
                              gsems[b]).wait()

    def scatter(slot, j, b):
        return pltpu.async_copy(rows.at[b], acc_sh.at[dstblk.at[slot, j]],
                                ssems[b], add=True)

    def wait_scatter(b):
        pltpu.make_async_copy(rows.at[b], acc_sh.at[dstblk.at[0, 0]],
                              ssems[b]).wait()

    def load_idx(g1, slot, sem_pair):
        nbase = base + g1 * IDXG
        pltpu.async_copy(e3d_hbm.at[0, pl.ds(nbase, IDXG)],
                         srcblk.at[slot], sem_pair[0])
        pltpu.async_copy(e3d_hbm.at[1, pl.ds(nbase, IDXG)],
                         dstblk.at[slot], sem_pair[1])

    def wait_idx(slot):
        pltpu.make_async_copy(e3d_hbm.at[0, pl.ds(base, IDXG)],
                              srcblk.at[slot], isrc).wait()
        pltpu.make_async_copy(e3d_hbm.at[1, pl.ds(base, IDXG)],
                              dstblk.at[slot], idst).wait()

    pltpu.sync_copy(e3d_hbm.at[0, pl.ds(base, IDXG)], srcblk.at[0])
    pltpu.sync_copy(e3d_hbm.at[1, pl.ds(base, IDXG)], dstblk.at[0])
    for p in range(LOOKAHEAD):
        gather(0, p, p % NBUF)
    plsc.subcore_barrier()

    def group_step(g, _):
        slot = g % 2
        nslot = (g + 1) % 2

        def inner_step(q, _):
            for k in range(INNER):
                j = q * INNER + k
                jn = j + LOOKAHEAD
                b = k % NBUF
                bn = (k + LOOKAHEAD) % NBUF
                if k == 0:
                    @pl.when((g > 0) | (q > 0))
                    def _():
                        wait_scatter(bn)
                else:
                    wait_scatter(bn)
                if k == 0:
                    @pl.when((q == 0) & (g + 1 < N_GROUPS))
                    def _():
                        load_idx(g + 1, nslot, (isrc, idst))

                if k + LOOKAHEAD < INNER:
                    gather(slot, jn, bn)
                else:
                    @pl.when(jn < IDXG)
                    def _():
                        gather(slot, jn, bn)

                    @pl.when((jn >= IDXG) & (g + 1 < N_GROUPS))
                    def _():
                        if k == INNER - LOOKAHEAD:
                            wait_idx(nslot)
                        gather(nslot, jn - IDXG, bn)

                wait_gather(b)
                scatter(slot, j, b)
            return 0

        lax.fori_loop(0, IDXG // INNER, inner_step, 0)
        return 0

    lax.fori_loop(0, N_GROUPS, group_step, 0)
    for t in range(NBUF - LOOKAHEAD):
        wait_scatter((IDXG - 1 - t) % NBUF)
    plsc.subcore_barrier()

    for j in range(CP_ROUNDS):
        cid = s + NS * j

        @pl.when(cid < CP_CHUNKS)
        def _():
            pltpu.sync_copy(acc_sh.at[pl.ds(cid * CP_ROWS, CP_ROWS)],
                            out_hbm.at[c, pl.ds(cid * CP_ROWS, CP_ROWS)])


def _message(h, e3d, zeros):
    return pl.kernel(
        _message_body,
        out_type=jax.ShapeDtypeStruct((NC, N_NODES, N_FEATS), jnp.float32),
        mesh=_MESH,
        scratch_types=[
            pltpu.VMEM((2, IDXG, CHUNK), jnp.int32),
            pltpu.VMEM((2, IDXG, CHUNK), jnp.int32),
            pltpu.VMEM((NBUF, CHUNK, N_FEATS), jnp.float32),
            pltpu.VMEM_SHARED((N_NODES, N_FEATS), jnp.float32),
        ] + [pltpu.SemaphoreType.DMA] * (2 * NBUF + 2),
        compiler_params=_SC_PARAMS,
    )(h, e3d, zeros)


def _finalize_body(p_ref, n2_ref, b_ref, out_ref):
    out_ref[...] = (p_ref[0] + p_ref[1]) * n2_ref[...] + b_ref[...]


def _finalize(partials, norm_dst, bias):
    return pl.pallas_call(
        _finalize_body,
        grid=(N_NODES // _MM_BLK,),
        in_specs=[
            pl.BlockSpec((NC, _MM_BLK, N_FEATS), lambda i: (0, i, 0)),
            pl.BlockSpec((_MM_BLK, 1), lambda i: (i, 0)),
            pl.BlockSpec((1, N_FEATS), lambda i: (0, 0)),
        ],
        out_specs=pl.BlockSpec((_MM_BLK, N_FEATS), lambda i: (i, 0)),
        out_shape=jax.ShapeDtypeStruct((N_NODES, N_FEATS), jnp.float32),
    )(partials, norm_dst, bias)


def kernel(features, edge_index, weight, bias):
    ei = edge_index.astype(jnp.int32)
    edges_flat = ei.reshape(2 * N_EDGES)
    e3d = ei.reshape(2, NW * CHUNKS_PER_TILE, CHUNK)
    hsrc, hdst = _degrees(edges_flat)
    norm_src, norm_dst = _norms(hsrc, hdst)
    h = _matmul(features, norm_src, weight)
    zeros = jnp.zeros((CP_ROWS, N_FEATS), jnp.float32)
    partials = _message(h, e3d, zeros)
    return _finalize(partials, norm_dst, bias.reshape(1, N_FEATS))

# --- scband reference (transcript-rebuilt; emitter-appended) ---
"""Pipeline reference for scband-gcn-12300786336289 (READ-ONLY COPY).

The authoritative reference and input builder live on the scoring server;
editing this copy changes nothing except your own understanding.
"""

import jax, jax.numpy as jnp
import numpy as np

N_NODES = 10000
N_EDGES = 320000
IN_FEATS = 128
OUT_FEATS = 128


def setup_inputs(seed: int = 0) -> dict:
    key = jax.random.key(seed)
    k1, k2, k3 = jax.random.split(key, 3)
    features = jax.random.normal(k1, (N_NODES, IN_FEATS), dtype=jnp.float32)
    edge_index = jax.random.randint(k2, (2, N_EDGES), 0, N_NODES, dtype=jnp.int64)
    # Xavier/Glorot uniform init for weight, zeros for bias (matches reset_parameters)
    bound = float(np.sqrt(6.0 / (IN_FEATS + OUT_FEATS)))
    weight = jax.random.uniform(k3, (IN_FEATS, OUT_FEATS), minval=-bound, maxval=bound, dtype=jnp.float32)
    bias = jnp.zeros((OUT_FEATS,), dtype=jnp.float32)
    return {"features": features, "edge_index": edge_index, "weight": weight, "bias": bias}


def reference(features, edge_index, weight, bias):
    N = features.shape[0]
    src = edge_index[0]
    dst = edge_index[1]
    # out-degree normalization (source-side)
    out_degs = jnp.clip(jnp.bincount(src, length=N).astype(jnp.float32), 1.0)
    norm1 = jnp.power(out_degs, -0.5)[:, None]
    h = features * norm1
    # linear transform
    h = jnp.matmul(h, weight)
    # message passing: copy_src + sum reduce == scatter-add of h[src] into dst
    msgs = jnp.take(h, src, axis=0)
    rst = jax.ops.segment_sum(msgs, dst, num_segments=N)
    # in-degree normalization (destination-side)
    in_degs = jnp.clip(jnp.bincount(dst, length=N).astype(jnp.float32), 1.0)
    norm2 = jnp.power(in_degs, -0.5)[:, None]
    rst = rst * norm2
    rst = rst + bias
    # activation is None
    return rst

if __name__ == "__main__":
    import jax
    _d = setup_inputs()
    print(jax.jit(kernel)(*tuple(_d.values())))

</pallas_src>

<mosaic_0001>
#map = affine_map<(d0, d1) -> (0)>
#map1 = affine_map<(d0, d1) -> (0, 0, 0)>
module attributes {stable_mosaic.version = 14 : i64} {
  func.func @_degrees_body(%arg0: i32, %arg1: i32, %arg2: memref<640000xi32, #tpu.memory_space<hbm>>, %arg3: memref<2x80x128xf32, #tpu.memory_space<hbm>>, %arg4: memref<2x80x128xf32, #tpu.memory_space<hbm>>, %arg5: memref<10000xi32, #tpu.memory_space<vmem>>, %arg6: memref<80x128xf32, #tpu.memory_space<vmem>>, %arg7: memref<80xi32, #tpu.memory_space<vmem>>, %arg8: memref<80x128xf32, #tpu.memory_space<vmem_shared>>, %arg9: memref<80x128xf32, #tpu.memory_space<vmem_shared>>) attributes {dimension_semantics = [#tpu.dimension_semantics<core_parallel>, #tpu.dimension_semantics<subcore_parallel>], iteration_bounds = array<i64: 2, 16>, scalar_prefetch = 0 : i64, scratch_operands = 5 : i64, tpu.core_type = #tpu.core_type<sc_vector_subcore>, window_params = [{transform_indices = #map}, {transform_indices = #map1}, {transform_indices = #map1}]} {
    %mul3A = arith.constant 16 : i32
    %mul3A_0 = arith.muli %arg0, %mul3A : i32
    %add3A = arith.addi %mul3A_0, %arg1 : i32
    %mul3A_1 = arith.constant 10000 : i32
    %mul3A_2 = arith.muli %add3A, %mul3A_1 : i32
    %broadcast_in_dim3A = arith.constant 1.000000e+00 : f32
    %broadcast_in_dim3A_3 = vector.broadcast %broadcast_in_dim3A : f32 to vector<16xf32>
    %broadcast_in_dim3A_4 = arith.constant 0.000000e+00 : f32
    %broadcast_in_dim3A_5 = vector.broadcast %broadcast_in_dim3A_4 : f32 to vector<16xf32>
    %scan3A = arith.constant 0 : i32
    %scan3A_6 = arith.constant 0 : i32
    %scan3A_7 = arith.constant 80 : i32
    %scan3A_8 = arith.addi %scan3A_6, %scan3A_7 : i32
    %scan3A_9 = arith.constant 1 : i32
    %scan3A_10 = scf.for %scan3A_58 = %scan3A_6 to %scan3A_8 step %scan3A_9 iter_args(%scan3A_59 = %scan3A) -> (i32)  : i32 {
      %swap3A = arith.index_cast %scan3A_58 : i32 to index
      %swap3A_60 = arith.constant 0 : index
      %swap3A_61 = tpu.vector_load %arg6[%swap3A, %swap3A_60] {strides = array<i32>} : memref<80x128xf32, #tpu.memory_space<vmem>>, vector<16xf32>,
      tpu.vector_store %arg6[%swap3A, %swap3A_60], %broadcast_in_dim3A_5 {strides = array<i32>} : memref<80x128xf32, #tpu.memory_space<vmem>>, vector<16xf32>,
      %swap3A_62 = arith.index_cast %scan3A_58 : i32 to index
      %swap3A_63 = arith.constant 16 : index
      %swap3A_64 = tpu.vector_load %arg6[%swap3A_62, %swap3A_63] {strides = array<i32>} : memref<80x128xf32, #tpu.memory_space<vmem>>, vector<16xf32>,
      tpu.vector_store %arg6[%swap3A_62, %swap3A_63], %broadcast_in_dim3A_5 {strides = array<i32>} : memref<80x128xf32, #tpu.memory_space<vmem>>, vector<16xf32>,
      %swap3A_65 = arith.index_cast %scan3A_58 : i32 to index
      %swap3A_66 = arith.constant 32 : index
      %swap3A_67 = tpu.vector_load %arg6[%swap3A_65, %swap3A_66] {strides = array<i32>} : memref<80x128xf32, #tpu.memory_space<vmem>>, vector<16xf32>,
      tpu.vector_store %arg6[%swap3A_65, %swap3A_66], %broadcast_in_dim3A_5 {strides = array<i32>} : memref<80x128xf32, #tpu.memory_space<vmem>>, vector<16xf32>,
      %swap3A_68 = arith.index_cast %scan3A_58 : i32 to index
      %swap3A_69 = arith.constant 48 : index
      %swap3A_70 = tpu.vector_load %arg6[%swap3A_68, %swap3A_69] {strides = array<i32>} : memref<80x128xf32, #tpu.memory_space<vmem>>, vector<16xf32>,
      tpu.vector_store %arg6[%swap3A_68, %swap3A_69], %broadcast_in_dim3A_5 {strides = array<i32>} : memref<80x128xf32, #tpu.memory_space<vmem>>, vector<16xf32>,
      %swap3A_71 = arith.index_cast %scan3A_58 : i32 to index
      %swap3A_72 = arith.constant 64 : index
      %swap3A_73 = tpu.vector_load %arg6[%swap3A_71, %swap3A_72] {strides = array<i32>} : memref<80x128xf32, #tpu.memory_space<vmem>>, vector<16xf32>,
      tpu.vector_store %arg6[%swap3A_71, %swap3A_72], %broadcast_in_dim3A_5 {strides = array<i32>} : memref<80x128xf32, #tpu.memory_space<vmem>>, vector<16xf32>,
      %swap3A_74 = arith.index_cast %scan3A_58 : i32 to index
      %swap3A_75 = arith.constant 80 : index
      %swap3A_76 = tpu.vector_load %arg6[%swap3A_74, %swap3A_75] {strides = array<i32>} : memref<80x128xf32, #tpu.memory_space<vmem>>, vector<16xf32>,
      tpu.vector_store %arg6[%swap3A_74, %swap3A_75], %broadcast_in_dim3A_5 {strides = array<i32>} : memref<80x128xf32, #tpu.memory_space<vmem>>, vector<16xf32>,
      %swap3A_77 = arith.index_cast %scan3A_58 : i32 to index
      %swap3A_78 = arith.constant 96 : index
      %swap3A_79 = tpu.vector_load %arg6[%swap3A_77, %swap3A_78] {strides = array<i32>} : memref<80x128xf32, #tpu.memory_space<vmem>>, vector<16xf32>,
      tpu.vector_store %arg6[%swap3A_77, %swap3A_78], %broadcast_in_dim3A_5 {strides = array<i32>} : memref<80x128xf32, #tpu.memory_space<vmem>>, vector<16xf32>,
      %swap3A_80 = arith.index_cast %scan3A_58 : i32 to index
      %swap3A_81 = arith.constant 112 : index
      %swap3A_82 = tpu.vector_load %arg6[%swap3A_80, %swap3A_81] {strides = array<i32>} : memref<80x128xf32, #tpu.memory_space<vmem>>, vector<16xf32>,
      tpu.vector_store %arg6[%swap3A_80, %swap3A_81], %broadcast_in_dim3A_5 {strides = array<i32>} : memref<80x128xf32, #tpu.memory_space<vmem>>, vector<16xf32>,
      %scan3A_83 = arith.constant 0 : i32
      scf.yield %scan3A_83 : i32
    }
    %scan3A_11 = arith.constant 80 : i32
    %scan3A_12 = arith.constant 0 : i32
    %scan3A_13 = arith.constant 0 : i32
    %scan3A_14 = arith.constant 5 : i32
    %scan3A_15 = arith.addi %scan3A_13, %scan3A_14 : i32
    %scan3A_16 = arith.constant 1 : i32
    %scan3A_17 = scf.for %scan3A_58 = %scan3A_13 to %scan3A_15 step %scan3A_16 iter_args(%scan3A_59 = %scan3A_12) -> (i32)  : i32 {
      %iota3A = tpu.iota {dimensions = array<i32: 0>} : vector<16xi32>
      %mul3A_60 = arith.constant 16 : i32
      %mul3A_61 = arith.muli %scan3A_58, %mul3A_60 : i32
      %add3A_62 = vector.broadcast %mul3A_61 : i32 to vector<16xi32>
      %add3A_63 = arith.addi %iota3A, %add3A_62 : vector<16xi32>
      %mul3A_64 = arith.constant 16 : i32
      %mul3A_65 = arith.muli %scan3A_58, %mul3A_64 : i32
      %swap3A = arith.index_cast %mul3A_65 : i32 to index
      %swap3A_66 = tpu.vector_load %arg7[%swap3A] {strides = array<i32>} : memref<80xi32, #tpu.memory_space<vmem>>, vector<16xi32>,
      tpu.vector_store %arg7[%swap3A], %add3A_63 {strides = array<i32>} : memref<80xi32, #tpu.memory_space<vmem>>, vector<16xi32>,
      %scan3A_67 = arith.constant 0 : i32
      scf.yield %scan3A_67 : i32
    }
    %scan3A_18 = arith.constant 5 : i32
    %eq3A = arith.constant 0 : i32
    %eq3A_19 = arith.cmpi eq, %arg1, %eq3A : i32
    %convert_element_type3A = arith.extui %eq3A_19 : i1 to i32
    %cond3A = arith.constant 0 : i32
    %cond3A_20 = arith.cmpi ne, %convert_element_type3A, %cond3A : i32
    scf.if %cond3A_20 {
      "tpu.region"() ({
        %run_scoped3A = tpu.sem_alloc : memref<!tpu.dma_semaphore, #tpu.memory_space<semaphore_mem>>
        tpu.enqueue_dma source(%arg6 : memref<80x128xf32, #tpu.memory_space<vmem>>) target(%arg8 : memref<80x128xf32, #tpu.memory_space<vmem_shared>>) target_semaphore(%run_scoped3A : memref<!tpu.dma_semaphore, #tpu.memory_space<semaphore_mem>>)
        tpu.wait_dma2 semaphore(%run_scoped3A : memref<!tpu.dma_semaphore, #tpu.memory_space<semaphore_mem>>) src(%arg6 : memref<80x128xf32, #tpu.memory_space<vmem>>) dst(%arg8 : memref<80x128xf32, #tpu.memory_space<vmem_shared>>)
        tpu.yield
      }) : () -> ()
      "tpu.region"() ({
        %run_scoped3A = tpu.sem_alloc : memref<!tpu.dma_semaphore, #tpu.memory_space<semaphore_mem>>
        tpu.enqueue_dma source(%arg6 : memref<80x128xf32, #tpu.memory_space<vmem>>) target(%arg9 : memref<80x128xf32, #tpu.memory_space<vmem_shared>>) target_semaphore(%run_scoped3A : memref<!tpu.dma_semaphore, #tpu.memory_space<semaphore_mem>>)
        tpu.wait_dma2 semaphore(%run_scoped3A : memref<!tpu.dma_semaphore, #tpu.memory_space<semaphore_mem>>) src(%arg6 : memref<80x128xf32, #tpu.memory_space<vmem>>) dst(%arg9 : memref<80x128xf32, #tpu.memory_space<vmem_shared>>)
        tpu.yield
      }) : () -> ()
    } else {
    }
    %barrier3A = arith.constant 0 : index
    tpu.barrier barrier_id(%barrier3A)
    %add3A_21 = arith.constant 0 : i32
    %add3A_22 = arith.addi %add3A_21, %mul3A_2 : i32
    "tpu.region"() ({
      %run_scoped3A = tpu.sem_alloc : memref<!tpu.dma_semaphore, #tpu.memory_space<semaphore_mem>>
      %dma_start3A = tpu.memref_slice %arg2[%add3A_22] : memref<640000xi32, #tpu.memory_space<hbm>> -> memref<10000xi32, #tpu.memory_space<hbm>>
      %dma_start3A_58 = tpu.memref_slice %arg2[%add3A_22] : memref<640000xi32, #tpu.memory_space<hbm>> -> memref<10000xi32, #tpu.memory_space<hbm>>
      tpu.enqueue_dma source(%dma_start3A_58 : memref<10000xi32, #tpu.memory_space<hbm>>) target(%arg5 : memref<10000xi32, #tpu.memory_space<vmem>>) target_semaphore(%run_scoped3A : memref<!tpu.dma_semaphore, #tpu.memory_space<semaphore_mem>>)
      %dma_wait3A = tpu.memref_slice %arg2[%add3A_22] : memref<640000xi32, #tpu.memory_space<hbm>> -> memref<10000xi32, #tpu.memory_space<hbm>>
      %dma_wait3A_59 = tpu.memref_slice %arg2[%add3A_22] : memref<640000xi32, #tpu.memory_space<hbm>> -> memref<10000xi32, #tpu.memory_space<hbm>>
      tpu.wait_dma2 semaphore(%run_scoped3A : memref<!tpu.dma_semaphore, #tpu.memory_space<semaphore_mem>>) src(%dma_wait3A_59 : memref<10000xi32, #tpu.memory_space<hbm>>) dst(%arg5 : memref<10000xi32, #tpu.memory_space<vmem>>)
      tpu.yield
    }) : () -> ()
    %scan3A_23 = arith.constant 0 : i32
    %scan3A_24 = arith.constant 0 : i32
    %scan3A_25 = arith.constant 125 : i32
    %scan3A_26 = arith.addi %scan3A_24, %scan3A_25 : i32
    %scan3A_27 = arith.constant 1 : i32
    %scan3A_28 = scf.for %scan3A_58 = %scan3A_24 to %scan3A_26 step %scan3A_27 iter_args(%scan3A_59 = %scan3A_23) -> (i32)  : i32 {
      %mul3A_60 = arith.constant 80 : i32
      %mul3A_61 = arith.muli %scan3A_58, %mul3A_60 : i32
      %add3A_62 = arith.constant 0 : i32
      %add3A_63 = arith.addi %mul3A_61, %add3A_62 : i32
      %get3A = arith.index_cast %add3A_63 : i32 to index
      %get3A_64 = tpu.vector_load %arg5[%get3A] {strides = array<i32>} : memref<10000xi32, #tpu.memory_space<vmem>>, vector<16xi32>,
      %shift_right_arithmetic3A = arith.constant 7 : i32
      %shift_right_arithmetic3A_65 = vector.broadcast %shift_right_arithmetic3A : i32 to vector<16xi32>
      %shift_right_arithmetic3A_66 = arith.shrsi %get3A_64, %shift_right_arithmetic3A_65 : vector<16xi32>
      %and3A = arith.constant 127 : i32
      %and3A_67 = vector.broadcast %and3A : i32 to vector<16xi32>
      %and3A_68 = arith.andi %get3A_64, %and3A_67 : vector<16xi32>
      tpu.vector_store_idx %arg6[%shift_right_arithmetic3A_66, %and3A_68], %broadcast_in_dim3A_3 {add = true} : memref<80x128xf32, #tpu.memory_space<vmem>>[vector<16xi32>, vector<16xi32>], vector<16xf32>,
      %mul3A_69 = arith.constant 80 : i32
      %mul3A_70 = arith.muli %scan3A_58, %mul3A_69 : i32
      %add3A_71 = arith.constant 16 : i32
      %add3A_72 = arith.addi %mul3A_70, %add3A_71 : i32
      %get3A_73 = arith.index_cast %add3A_72 : i32 to index
      %get3A_74 = tpu.vector_load %arg5[%get3A_73] {strides = array<i32>} : memref<10000xi32, #tpu.memory_space<vmem>>, vector<16xi32>,
      %shift_right_arithmetic3A_75 = arith.constant 7 : i32
      %shift_right_arithmetic3A_76 = vector.broadcast %shift_right_arithmetic3A_75 : i32 to vector<16xi32>
      %shift_right_arithmetic3A_77 = arith.shrsi %get3A_74, %shift_right_arithmetic3A_76 : vector<16xi32>
      %and3A_78 = arith.constant 127 : i32
      %and3A_79 = vector.broadcast %and3A_78 : i32 to vector<16xi32>
      %and3A_80 = arith.andi %get3A_74, %and3A_79 : vector<16xi32>
      tpu.vector_store_idx %arg6[%shift_right_arithmetic3A_77, %and3A_80], %broadcast_in_dim3A_3 {add = true} : memref<80x128xf32, #tpu.memory_space<vmem>>[vector<16xi32>, vector<16xi32>], vector<16xf32>,
      %mul3A_81 = arith.constant 80 : i32
      %mul3A_82 = arith.muli %scan3A_58, %mul3A_81 : i32
      %add3A_83 = arith.constant 32 : i32
      %add3A_84 = arith.addi %mul3A_82, %add3A_83 : i32
      %get3A_85 = arith.index_cast %add3A_84 : i32 to index
      %get3A_86 = tpu.vector_load %arg5[%get3A_85] {strides = array<i32>} : memref<10000xi32, #tpu.memory_space<vmem>>, vector<16xi32>,
      %shift_right_arithmetic3A_87 = arith.constant 7 : i32
      %shift_right_arithmetic3A_88 = vector.broadcast %shift_right_arithmetic3A_87 : i32 to vector<16xi32>
      %shift_right_arithmetic3A_89 = arith.shrsi %get3A_86, %shift_right_arithmetic3A_88 : vector<16xi32>
      %and3A_90 = arith.constant 127 : i32
      %and3A_91 = vector.broadcast %and3A_90 : i32 to vector<16xi32>
      %and3A_92 = arith.andi %get3A_86, %and3A_91 : vector<16xi32>
      tpu.vector_store_idx %arg6[%shift_right_arithmetic3A_89, %and3A_92], %broadcast_in_dim3A_3 {add = true} : memref<80x128xf32, #tpu.memory_space<vmem>>[vector<16xi32>, vector<16xi32>], vector<16xf32>,
      %mul3A_93 = arith.constant 80 : i32
      %mul3A_94 = arith.muli %scan3A_58, %mul3A_93 : i32
      %add3A_95 = arith.constant 48 : i32
      %add3A_96 = arith.addi %mul3A_94, %add3A_95 : i32
      %get3A_97 = arith.index_cast %add3A_96 : i32 to index
      %get3A_98 = tpu.vector_load %arg5[%get3A_97] {strides = array<i32>} : memref<10000xi32, #tpu.memory_space<vmem>>, vector<16xi32>,
      %shift_right_arithmetic3A_99 = arith.constant 7 : i32
      %shift_right_arithmetic3A_100 = vector.broadcast %shift_right_arithmetic3A_99 : i32 to vector<16xi32>
      %shift_right_arithmetic3A_101 = arith.shrsi %get3A_98, %shift_right_arithmetic3A_100 : vector<16xi32>
      %and3A_102 = arith.constant 127 : i32
      %and3A_103 = vector.broadcast %and3A_102 : i32 to vector<16xi32>
      %and3A_104 = arith.andi %get3A_98, %and3A_103 : vector<16xi32>
      tpu.vector_store_idx %arg6[%shift_right_arithmetic3A_101, %and3A_104], %broadcast_in_dim3A_3 {add = true} : memref<80x128xf32, #tpu.memory_space<vmem>>[vector<16xi32>, vector<16xi32>], vector<16xf32>,
      %mul3A_105 = arith.constant 80 : i32
      %mul3A_106 = arith.muli %scan3A_58, %mul3A_105 : i32
      %add3A_107 = arith.constant 64 : i32
      %add3A_108 = arith.addi %mul3A_106, %add3A_107 : i32
      %get3A_109 = arith.index_cast %add3A_108 : i32 to index
      %get3A_110 = tpu.vector_load %arg5[%get3A_109] {strides = array<i32>} : memref<10000xi32, #tpu.memory_space<vmem>>, vector<16xi32>,
      %shift_right_arithmetic3A_111 = arith.constant 7 : i32
      %shift_right_arithmetic3A_112 = vector.broadcast %shift_right_arithmetic3A_111 : i32 to vector<16xi32>
      %shift_right_arithmetic3A_113 = arith.shrsi %get3A_110, %shift_right_arithmetic3A_112 : vector<16xi32>
      %and3A_114 = arith.constant 127 : i32
      %and3A_115 = vector.broadcast %and3A_114 : i32 to vector<16xi32>
      %and3A_116 = arith.andi %get3A_110, %and3A_115 : vector<16xi32>
      tpu.vector_store_idx %arg6[%shift_right_arithmetic3A_113, %and3A_116], %broadcast_in_dim3A_3 {add = true} : memref<80x128xf32, #tpu.memory_space<vmem>>[vector<16xi32>, vector<16xi32>], vector<16xf32>,
      %scan3A_117 = arith.constant 0 : i32
      scf.yield %scan3A_117 : i32
    }
    %scan3A_29 = arith.constant 125 : i32
    "tpu.region"() ({
      %run_scoped3A = tpu.sem_alloc : memref<!tpu.dma_semaphore, #tpu.memory_space<semaphore_mem>>
      %dma_start3A = arith.constant 0 : i32
      %dma_start3A_58 = arith.constant 0 : i32
      %dma_start3A_59 = tpu.memref_slice %arg8[%dma_start3A, %dma_start3A_58] : memref<80x128xf32, #tpu.memory_space<vmem_shared>> -> memref<80x128xf32, #tpu.memory_space<vmem_shared>>
      tpu.enqueue_indirect_dma source(%arg6 : memref<80x128xf32, #tpu.memory_space<vmem>>) target(%dma_start3A_59 : memref<80x128xf32, #tpu.memory_space<vmem_shared>>) offsets(%arg7 : memref<80xi32, #tpu.memory_space<vmem>>) semaphore(%run_scoped3A : memref<!tpu.dma_semaphore, #tpu.memory_space<semaphore_mem>>) {add = true}
      %dma_wait3A = arith.constant 0 : i32
      %dma_wait3A_60 = arith.constant 0 : i32
      %dma_wait3A_61 = tpu.memref_slice %arg8[%dma_wait3A, %dma_wait3A_60] : memref<80x128xf32, #tpu.memory_space<vmem_shared>> -> memref<80x128xf32, #tpu.memory_space<vmem_shared>>
      tpu.wait_indirect_dma semaphore(%run_scoped3A : memref<!tpu.dma_semaphore, #tpu.memory_space<semaphore_mem>>) src(%arg6 : memref<80x128xf32, #tpu.memory_space<vmem>>) dst(%dma_wait3A_61 : memref<80x128xf32, #tpu.memory_space<vmem_shared>>)
      tpu.yield
    }) : () -> ()
    %scan3A_30 = arith.constant 0 : i32
    %scan3A_31 = arith.constant 0 : i32
    %scan3A_32 = arith.constant 80 : i32
    %scan3A_33 = arith.addi %scan3A_31, %scan3A_32 : i32
    %scan3A_34 = arith.constant 1 : i32
    %scan3A_35 = scf.for %scan3A_58 = %scan3A_31 to %scan3A_33 step %scan3A_34 iter_args(%scan3A_59 = %scan3A_30) -> (i32)  : i32 {
      %swap3A = arith.index_cast %scan3A_58 : i32 to index
      %swap3A_60 = arith.constant 0 : index
      %swap3A_61 = tpu.vector_load %arg6[%swap3A, %swap3A_60] {strides = array<i32>} : memref<80x128xf32, #tpu.memory_space<vmem>>, vector<16xf32>,
      tpu.vector_store %arg6[%swap3A, %swap3A_60], %broadcast_in_dim3A_5 {strides = array<i32>} : memref<80x128xf32, #tpu.memory_space<vmem>>, vector<16xf32>,
      %swap3A_62 = arith.index_cast %scan3A_58 : i32 to index
      %swap3A_63 = arith.constant 16 : index
      %swap3A_64 = tpu.vector_load %arg6[%swap3A_62, %swap3A_63] {strides = array<i32>} : memref<80x128xf32, #tpu.memory_space<vmem>>, vector<16xf32>,
      tpu.vector_store %arg6[%swap3A_62, %swap3A_63], %broadcast_in_dim3A_5 {strides = array<i32>} : memref<80x128xf32, #tpu.memory_space<vmem>>, vector<16xf32>,
      %swap3A_65 = arith.index_cast %scan3A_58 : i32 to index
      %swap3A_66 = arith.constant 32 : index
      %swap3A_67 = tpu.vector_load %arg6[%swap3A_65, %swap3A_66] {strides = array<i32>} : memref<80x128xf32, #tpu.memory_space<vmem>>, vector<16xf32>,
      tpu.vector_store %arg6[%swap3A_65, %swap3A_66], %broadcast_in_dim3A_5 {strides = array<i32>} : memref<80x128xf32, #tpu.memory_space<vmem>>, vector<16xf32>,
      %swap3A_68 = arith.index_cast %scan3A_58 : i32 to index
      %swap3A_69 = arith.constant 48 : index
      %swap3A_70 = tpu.vector_load %arg6[%swap3A_68, %swap3A_69] {strides = array<i32>} : memref<80x128xf32, #tpu.memory_space<vmem>>, vector<16xf32>,
      tpu.vector_store %arg6[%swap3A_68, %swap3A_69], %broadcast_in_dim3A_5 {strides = array<i32>} : memref<80x128xf32, #tpu.memory_space<vmem>>, vector<16xf32>,
      %swap3A_71 = arith.index_cast %scan3A_58 : i32 to index
      %swap3A_72 = arith.constant 64 : index
      %swap3A_73 = tpu.vector_load %arg6[%swap3A_71, %swap3A_72] {strides = array<i32>} : memref<80x128xf32, #tpu.memory_space<vmem>>, vector<16xf32>,
      tpu.vector_store %arg6[%swap3A_71, %swap3A_72], %broadcast_in_dim3A_5 {strides = array<i32>} : memref<80x128xf32, #tpu.memory_space<vmem>>, vector<16xf32>,
      %swap3A_74 = arith.index_cast %scan3A_58 : i32 to index
      %swap3A_75 = arith.constant 80 : index
      %swap3A_76 = tpu.vector_load %arg6[%swap3A_74, %swap3A_75] {strides = array<i32>} : memref<80x128xf32, #tpu.memory_space<vmem>>, vector<16xf32>,
      tpu.vector_store %arg6[%swap3A_74, %swap3A_75], %broadcast_in_dim3A_5 {strides = array<i32>} : memref<80x128xf32, #tpu.memory_space<vmem>>, vector<16xf32>,
      %swap3A_77 = arith.index_cast %scan3A_58 : i32 to index
      %swap3A_78 = arith.constant 96 : index
      %swap3A_79 = tpu.vector_load %arg6[%swap3A_77, %swap3A_78] {strides = array<i32>} : memref<80x128xf32, #tpu.memory_space<vmem>>, vector<16xf32>,
      tpu.vector_store %arg6[%swap3A_77, %swap3A_78], %broadcast_in_dim3A_5 {strides = array<i32>} : memref<80x128xf32, #tpu.memory_space<vmem>>, vector<16xf32>,
      %swap3A_80 = arith.index_cast %scan3A_58 : i32 to index
      %swap3A_81 = arith.constant 112 : index
      %swap3A_82 = tpu.vector_load %arg6[%swap3A_80, %swap3A_81] {strides = array<i32>} : memref<80x128xf32, #tpu.memory_space<vmem>>, vector<16xf32>,
      tpu.vector_store %arg6[%swap3A_80, %swap3A_81], %broadcast_in_dim3A_5 {strides = array<i32>} : memref<80x128xf32, #tpu.memory_space<vmem>>, vector<16xf32>,
      %scan3A_83 = arith.constant 0 : i32
      scf.yield %scan3A_83 : i32
    }
    %scan3A_36 = arith.constant 80 : i32
    %barrier3A_37 = arith.constant 0 : index
    tpu.barrier barrier_id(%barrier3A_37)
    %eq3A_38 = arith.constant 0 : i32
    %eq3A_39 = arith.cmpi eq, %arg1, %eq3A_38 : i32
    %convert_element_type3A_40 = arith.extui %eq3A_39 : i1 to i32
    %cond3A_41 = arith.constant 0 : i32
    %cond3A_42 = arith.cmpi ne, %convert_element_type3A_40, %cond3A_41 : i32
    scf.if %cond3A_42 {
      "tpu.region"() ({
        %run_scoped3A = tpu.sem_alloc : memref<!tpu.dma_semaphore, #tpu.memory_space<semaphore_mem>>
        %dma_start3A = arith.constant 0 : i32
        %dma_start3A_58 = arith.constant 0 : i32
        %dma_start3A_59 = tpu.memref_slice %arg3[%arg0, %dma_start3A, %dma_start3A_58] : memref<2x80x128xf32, #tpu.memory_space<hbm>> -> memref<1x80x128xf32, #tpu.memory_space<hbm>>
        %dma_start3A_60 = tpu.memref_squeeze %dma_start3A_59 : memref<1x80x128xf32, #tpu.memory_space<hbm>> -> memref<80x128xf32, #tpu.memory_space<hbm>>
        tpu.enqueue_dma source(%arg8 : memref<80x128xf32, #tpu.memory_space<vmem_shared>>) target(%dma_start3A_60 : memref<80x128xf32, #tpu.memory_space<hbm>>) target_semaphore(%run_scoped3A : memref<!tpu.dma_semaphore, #tpu.memory_space<semaphore_mem>>)
        %dma_wait3A = arith.constant 0 : i32
        %dma_wait3A_61 = arith.constant 0 : i32
        %dma_wait3A_62 = tpu.memref_slice %arg3[%arg0, %dma_wait3A, %dma_wait3A_61] : memref<2x80x128xf32, #tpu.memory_space<hbm>> -> memref<1x80x128xf32, #tpu.memory_space<hbm>>
        %dma_wait3A_63 = tpu.memref_squeeze %dma_wait3A_62 : memref<1x80x128xf32, #tpu.memory_space<hbm>> -> memref<80x128xf32, #tpu.memory_space<hbm>>
        tpu.wait_dma2 semaphore(%run_scoped3A : memref<!tpu.dma_semaphore, #tpu.memory_space<semaphore_mem>>) src(%arg8 : memref<80x128xf32, #tpu.memory_space<vmem_shared>>) dst(%dma_wait3A_63 : memref<80x128xf32, #tpu.memory_space<hbm>>)
        tpu.yield
      }) : () -> ()
    } else {
    }
    %add3A_43 = arith.constant 320000 : i32
    %add3A_44 = arith.addi %add3A_43, %mul3A_2 : i32
    "tpu.region"() ({
      %run_scoped3A = tpu.sem_alloc : memref<!tpu.dma_semaphore, #tpu.memory_space<semaphore_mem>>
      %dma_start3A = tpu.memref_slice %arg2[%add3A_44] : memref<640000xi32, #tpu.memory_space<hbm>> -> memref<10000xi32, #tpu.memory_space<hbm>>
      %dma_start3A_58 = tpu.memref_slice %arg2[%add3A_44] : memref<640000xi32, #tpu.memory_space<hbm>> -> memref<10000xi32, #tpu.memory_space<hbm>>
      tpu.enqueue_dma source(%dma_start3A_58 : memref<10000xi32, #tpu.memory_space<hbm>>) target(%arg5 : memref<10000xi32, #tpu.memory_space<vmem>>) target_semaphore(%run_scoped3A : memref<!tpu.dma_semaphore, #tpu.memory_space<semaphore_mem>>)
      %dma_wait3A = tpu.memref_slice %arg2[%add3A_44] : memref<640000xi32, #tpu.memory_space<hbm>> -> memref<10000xi32, #tpu.memory_space<hbm>>
      %dma_wait3A_59 = tpu.memref_slice %arg2[%add3A_44] : memref<640000xi32, #tpu.memory_space<hbm>> -> memref<10000xi32, #tpu.memory_space<hbm>>
      tpu.wait_dma2 semaphore(%run_scoped3A : memref<!tpu.dma_semaphore, #tpu.memory_space<semaphore_mem>>) src(%dma_wait3A_59 : memref<10000xi32, #tpu.memory_space<hbm>>) dst(%arg5 : memref<10000xi32, #tpu.memory_space<vmem>>)
      tpu.yield
    }) : () -> ()
    %scan3A_45 = arith.constant 0 : i32
    %scan3A_46 = arith.constant 0 : i32
    %scan3A_47 = arith.constant 125 : i32
    %scan3A_48 = arith.addi %scan3A_46, %scan3A_47 : i32
    %scan3A_49 = arith.constant 1 : i32
    %scan3A_50 = scf.for %scan3A_58 = %scan3A_46 to %scan3A_48 step %scan3A_49 iter_args(%scan3A_59 = %scan3A_45) -> (i32)  : i32 {
      %mul3A_60 = arith.constant 80 : i32
      %mul3A_61 = arith.muli %scan3A_58, %mul3A_60 : i32
      %add3A_62 = arith.constant 0 : i32
      %add3A_63 = arith.addi %mul3A_61, %add3A_62 : i32
      %get3A = arith.index_cast %add3A_63 : i32 to index
      %get3A_64 = tpu.vector_load %arg5[%get3A] {strides = array<i32>} : memref<10000xi32, #tpu.memory_space<vmem>>, vector<16xi32>,
      %shift_right_arithmetic3A = arith.constant 7 : i32
      %shift_right_arithmetic3A_65 = vector.broadcast %shift_right_arithmetic3A : i32 to vector<16xi32>
      %shift_right_arithmetic3A_66 = arith.shrsi %get3A_64, %shift_right_arithmetic3A_65 : vector<16xi32>
      %and3A = arith.constant 127 : i32
      %and3A_67 = vector.broadcast %and3A : i32 to vector<16xi32>
      %and3A_68 = arith.andi %get3A_64, %and3A_67 : vector<16xi32>
      tpu.vector_store_idx %arg6[%shift_right_arithmetic3A_66, %and3A_68], %broadcast_in_dim3A_3 {add = true} : memref<80x128xf32, #tpu.memory_space<vmem>>[vector<16xi32>, vector<16xi32>], vector<16xf32>,
      %mul3A_69 = arith.constant 80 : i32
      %mul3A_70 = arith.muli %scan3A_58, %mul3A_69 : i32
      %add3A_71 = arith.constant 16 : i32
      %add3A_72 = arith.addi %mul3A_70, %add3A_71 : i32
      %get3A_73 = arith.index_cast %add3A_72 : i32 to index
      %get3A_74 = tpu.vector_load %arg5[%get3A_73] {strides = array<i32>} : memref<10000xi32, #tpu.memory_space<vmem>>, vector<16xi32>,
      %shift_right_arithmetic3A_75 = arith.constant 7 : i32
      %shift_right_arithmetic3A_76 = vector.broadcast %shift_right_arithmetic3A_75 : i32 to vector<16xi32>
      %shift_right_arithmetic3A_77 = arith.shrsi %get3A_74, %shift_right_arithmetic3A_76 : vector<16xi32>
      %and3A_78 = arith.constant 127 : i32
      %and3A_79 = vector.broadcast %and3A_78 : i32 to vector<16xi32>
      %and3A_80 = arith.andi %get3A_74, %and3A_79 : vector<16xi32>
      tpu.vector_store_idx %arg6[%shift_right_arithmetic3A_77, %and3A_80], %broadcast_in_dim3A_3 {add = true} : memref<80x128xf32, #tpu.memory_space<vmem>>[vector<16xi32>, vector<16xi32>], vector<16xf32>,
      %mul3A_81 = arith.constant 80 : i32
      %mul3A_82 = arith.muli %scan3A_58, %mul3A_81 : i32
      %add3A_83 = arith.constant 32 : i32
      %add3A_84 = arith.addi %mul3A_82, %add3A_83 : i32
      %get3A_85 = arith.index_cast %add3A_84 : i32 to index
      %get3A_86 = tpu.vector_load %arg5[%get3A_85] {strides = array<i32>} : memref<10000xi32, #tpu.memory_space<vmem>>, vector<16xi32>,
      %shift_right_arithmetic3A_87 = arith.constant 7 : i32
      %shift_right_arithmetic3A_88 = vector.broadcast %shift_right_arithmetic3A_87 : i32 to vector<16xi32>
      %shift_right_arithmetic3A_89 = arith.shrsi %get3A_86, %shift_right_arithmetic3A_88 : vector<16xi32>
      %and3A_90 = arith.constant 127 : i32
      %and3A_91 = vector.broadcast %and3A_90 : i32 to vector<16xi32>
      %and3A_92 = arith.andi %get3A_86, %and3A_91 : vector<16xi32>
      tpu.vector_store_idx %arg6[%shift_right_arithmetic3A_89, %and3A_92], %broadcast_in_dim3A_3 {add = true} : memref<80x128xf32, #tpu.memory_space<vmem>>[vector<16xi32>, vector<16xi32>], vector<16xf32>,
      %mul3A_93 = arith.constant 80 : i32
      %mul3A_94 = arith.muli %scan3A_58, %mul3A_93 : i32
      %add3A_95 = arith.constant 48 : i32
      %add3A_96 = arith.addi %mul3A_94, %add3A_95 : i32
      %get3A_97 = arith.index_cast %add3A_96 : i32 to index
      %get3A_98 = tpu.vector_load %arg5[%get3A_97] {strides = array<i32>} : memref<10000xi32, #tpu.memory_space<vmem>>, vector<16xi32>,
      %shift_right_arithmetic3A_99 = arith.constant 7 : i32
      %shift_right_arithmetic3A_100 = vector.broadcast %shift_right_arithmetic3A_99 : i32 to vector<16xi32>
      %shift_right_arithmetic3A_101 = arith.shrsi %get3A_98, %shift_right_arithmetic3A_100 : vector<16xi32>
      %and3A_102 = arith.constant 127 : i32
      %and3A_103 = vector.broadcast %and3A_102 : i32 to vector<16xi32>
      %and3A_104 = arith.andi %get3A_98, %and3A_103 : vector<16xi32>
      tpu.vector_store_idx %arg6[%shift_right_arithmetic3A_101, %and3A_104], %broadcast_in_dim3A_3 {add = true} : memref<80x128xf32, #tpu.memory_space<vmem>>[vector<16xi32>, vector<16xi32>], vector<16xf32>,
      %mul3A_105 = arith.constant 80 : i32
      %mul3A_106 = arith.muli %scan3A_58, %mul3A_105 : i32
      %add3A_107 = arith.constant 64 : i32
      %add3A_108 = arith.addi %mul3A_106, %add3A_107 : i32
      %get3A_109 = arith.index_cast %add3A_108 : i32 to index
      %get3A_110 = tpu.vector_load %arg5[%get3A_109] {strides = array<i32>} : memref<10000xi32, #tpu.memory_space<vmem>>, vector<16xi32>,
      %shift_right_arithmetic3A_111 = arith.constant 7 : i32
      %shift_right_arithmetic3A_112 = vector.broadcast %shift_right_arithmetic3A_111 : i32 to vector<16xi32>
      %shift_right_arithmetic3A_113 = arith.shrsi %get3A_110, %shift_right_arithmetic3A_112 : vector<16xi32>
      %and3A_114 = arith.constant 127 : i32
      %and3A_115 = vector.broadcast %and3A_114 : i32 to vector<16xi32>
      %and3A_116 = arith.andi %get3A_110, %and3A_115 : vector<16xi32>
      tpu.vector_store_idx %arg6[%shift_right_arithmetic3A_113, %and3A_116], %broadcast_in_dim3A_3 {add = true} : memref<80x128xf32, #tpu.memory_space<vmem>>[vector<16xi32>, vector<16xi32>], vector<16xf32>,
      %scan3A_117 = arith.constant 0 : i32
      scf.yield %scan3A_117 : i32
    }
    %scan3A_51 = arith.constant 125 : i32
    "tpu.region"() ({
      %run_scoped3A = tpu.sem_alloc : memref<!tpu.dma_semaphore, #tpu.memory_space<semaphore_mem>>
      %dma_start3A = arith.constant 0 : i32
      %dma_start3A_58 = arith.constant 0 : i32
      %dma_start3A_59 = tpu.memref_slice %arg9[%dma_start3A, %dma_start3A_58] : memref<80x128xf32, #tpu.memory_space<vmem_shared>> -> memref<80x128xf32, #tpu.memory_space<vmem_shared>>
      tpu.enqueue_indirect_dma source(%arg6 : memref<80x128xf32, #tpu.memory_space<vmem>>) target(%dma_start3A_59 : memref<80x128xf32, #tpu.memory_space<vmem_shared>>) offsets(%arg7 : memref<80xi32, #tpu.memory_space<vmem>>) semaphore(%run_scoped3A : memref<!tpu.dma_semaphore, #tpu.memory_space<semaphore_mem>>) {add = true}
      %dma_wait3A = arith.constant 0 : i32
      %dma_wait3A_60 = arith.constant 0 : i32
      %dma_wait3A_61 = tpu.memref_slice %arg9[%dma_wait3A, %dma_wait3A_60] : memref<80x128xf32, #tpu.memory_space<vmem_shared>> -> memref<80x128xf32, #tpu.memory_space<vmem_shared>>
      tpu.wait_indirect_dma semaphore(%run_scoped3A : memref<!tpu.dma_semaphore, #tpu.memory_space<semaphore_mem>>) src(%arg6 : memref<80x128xf32, #tpu.memory_space<vmem>>) dst(%dma_wait3A_61 : memref<80x128xf32, #tpu.memory_space<vmem_shared>>)
      tpu.yield
    }) : () -> ()
    %barrier3A_52 = arith.constant 0 : index
    tpu.barrier barrier_id(%barrier3A_52)
    %eq3A_53 = arith.constant 0 : i32
    %eq3A_54 = arith.cmpi eq, %arg1, %eq3A_53 : i32
    %convert_element_type3A_55 = arith.extui %eq3A_54 : i1 to i32
    %cond3A_56 = arith.constant 0 : i32
    %cond3A_57 = arith.cmpi ne, %convert_element_type3A_55, %cond3A_56 : i32
    scf.if %cond3A_57 {
      "tpu.region"() ({
        %run_scoped3A = tpu.sem_alloc : memref<!tpu.dma_semaphore, #tpu.memory_space<semaphore_mem>>
        %dma_start3A = arith.constant 0 : i32
        %dma_start3A_58 = arith.constant 0 : i32
        %dma_start3A_59 = tpu.memref_slice %arg4[%arg0, %dma_start3A, %dma_start3A_58] : memref<2x80x128xf32, #tpu.memory_space<hbm>> -> memref<1x80x128xf32, #tpu.memory_space<hbm>>
        %dma_start3A_60 = tpu.memref_squeeze %dma_start3A_59 : memref<1x80x128xf32, #tpu.memory_space<hbm>> -> memref<80x128xf32, #tpu.memory_space<hbm>>
        tpu.enqueue_dma source(%arg9 : memref<80x128xf32, #tpu.memory_space<vmem_shared>>) target(%dma_start3A_60 : memref<80x128xf32, #tpu.memory_space<hbm>>) target_semaphore(%run_scoped3A : memref<!tpu.dma_semaphore, #tpu.memory_space<semaphore_mem>>)
        %dma_wait3A = arith.constant 0 : i32
        %dma_wait3A_61 = arith.constant 0 : i32
        %dma_wait3A_62 = tpu.memref_slice %arg4[%arg0, %dma_wait3A, %dma_wait3A_61] : memref<2x80x128xf32, #tpu.memory_space<hbm>> -> memref<1x80x128xf32, #tpu.memory_space<hbm>>
        %dma_wait3A_63 = tpu.memref_squeeze %dma_wait3A_62 : memref<1x80x128xf32, #tpu.memory_space<hbm>> -> memref<80x128xf32, #tpu.memory_space<hbm>>
        tpu.wait_dma2 semaphore(%run_scoped3A : memref<!tpu.dma_semaphore, #tpu.memory_space<semaphore_mem>>) src(%arg9 : memref<80x128xf32, #tpu.memory_space<vmem_shared>>) dst(%dma_wait3A_63 : memref<80x128xf32, #tpu.memory_space<hbm>>)
        tpu.yield
      }) : () -> ()
    } else {
    }
    return
  }
}

#map = affine_map<(d0, d1) -> (0, 0)>
#map1 = affine_map<(d0, d1) -> (0, 0, 0)>
module attributes {stable_mosaic.version = 14 : i64} {
  func.func @_message_body(%arg0: i32, %arg1: i32, %arg2: memref<10000x128xf32, #tpu.memory_space<hbm>>, %arg3: memref<2x6400x50xi32, #tpu.memory_space<hbm>>, %arg4: memref<200x128xf32, #tpu.memory_space<hbm>>, %arg5: memref<2x10000x128xf32, #tpu.memory_space<hbm>>, %arg6: memref<2x40x50xi32, #tpu.memory_space<vmem>>, %arg7: memref<2x40x50xi32, #tpu.memory_space<vmem>>, %arg8: memref<4x50x128xf32, #tpu.memory_space<vmem>>, %arg9: memref<10000x128xf32, #tpu.memory_space<vmem_shared>>, %arg10: memref<!tpu.dma_semaphore, #tpu.memory_space<semaphore_mem>>, %arg11: memref<!tpu.dma_semaphore, #tpu.memory_space<semaphore_mem>>, %arg12: memref<!tpu.dma_semaphore, #tpu.memory_space<semaphore_mem>>, %arg13: memref<!tpu.dma_semaphore, #tpu.memory_space<semaphore_mem>>, %arg14: memref<!tpu.dma_semaphore, #tpu.memory_space<semaphore_mem>>, %arg15: memref<!tpu.dma_semaphore, #tpu.memory_space<semaphore_mem>>, %arg16: memref<!tpu.dma_semaphore, #tpu.memory_space<semaphore_mem>>, %arg17: memref<!tpu.dma_semaphore, #tpu.memory_space<semaphore_mem>>, %arg18: memref<!tpu.dma_semaphore, #tpu.memory_space<semaphore_mem>>, %arg19: memref<!tpu.dma_semaphore, #tpu.memory_space<semaphore_mem>>) attributes {dimension_semantics = [#tpu.dimension_semantics<core_parallel>, #tpu.dimension_semantics<subcore_parallel>], iteration_bounds = array<i64: 2, 16>, scalar_prefetch = 0 : i64, scratch_operands = 14 : i64, tpu.core_type = #tpu.core_type<sc_vector_subcore>, window_params = [{transform_indices = #map}, {transform_indices = #map1}, {transform_indices = #map}, {transform_indices = #map1}]} {
    %mul3A = arith.constant 16 : i32
    %mul3A_0 = arith.muli %arg0, %mul3A : i32
    %add3A = arith.addi %mul3A_0, %arg1 : i32
    %add3A_1 = arith.constant 0 : i32
    %add3A_2 = arith.addi %arg1, %add3A_1 : i32
    %lt3A = arith.constant 50 : i32
    %lt3A_3 = arith.cmpi slt, %add3A_2, %lt3A : i32
    %convert_element_type3A = arith.extui %lt3A_3 : i1 to i32
    %cond3A = arith.constant 0 : i32
    %cond3A_4 = arith.cmpi ne, %convert_element_type3A, %cond3A : i32
    scf.if %cond3A_4 {
      %mul3A_116 = arith.constant 200 : i32
      %mul3A_117 = arith.muli %add3A_2, %mul3A_116 : i32
      "tpu.region"() ({
        %run_scoped3A_118 = tpu.sem_alloc : memref<!tpu.dma_semaphore, #tpu.memory_space<semaphore_mem>>
        %dma_start3A_119 = arith.constant 0 : i32
        %dma_start3A_120 = tpu.memref_slice %arg9[%mul3A_117, %dma_start3A_119] : memref<10000x128xf32, #tpu.memory_space<vmem_shared>> -> memref<200x128xf32, #tpu.memory_space<vmem_shared>>
        tpu.enqueue_dma source(%arg4 : memref<200x128xf32, #tpu.memory_space<hbm>>) target(%dma_start3A_120 : memref<200x128xf32, #tpu.memory_space<vmem_shared>>) target_semaphore(%run_scoped3A_118 : memref<!tpu.dma_semaphore, #tpu.memory_space<semaphore_mem>>)
        %dma_wait3A_121 = arith.constant 0 : i32
        %dma_wait3A_122 = tpu.memref_slice %arg9[%mul3A_117, %dma_wait3A_121] : memref<10000x128xf32, #tpu.memory_space<vmem_shared>> -> memref<200x128xf32, #tpu.memory_space<vmem_shared>>
        tpu.wait_dma2 semaphore(%run_scoped3A_118 : memref<!tpu.dma_semaphore, #tpu.memory_space<semaphore_mem>>) src(%arg4 : memref<200x128xf32, #tpu.memory_space<hbm>>) dst(%dma_wait3A_122 : memref<200x128xf32, #tpu.memory_space<vmem_shared>>)
        tpu.yield
      }) : () -> ()
    } else {
    }
    %add3A_5 = arith.constant 16 : i32
    %add3A_6 = arith.addi %arg1, %add3A_5 : i32
    %lt3A_7 = arith.constant 50 : i32
    %lt3A_8 = arith.cmpi slt, %add3A_6, %lt3A_7 : i32
    %convert_element_type3A_9 = arith.extui %lt3A_8 : i1 to i32
    %cond3A_10 = arith.constant 0 : i32
    %cond3A_11 = arith.cmpi ne, %convert_element_type3A_9, %cond3A_10 : i32
    scf.if %cond3A_11 {
      %mul3A_116 = arith.constant 200 : i32
      %mul3A_117 = arith.muli %add3A_6, %mul3A_116 : i32
      "tpu.region"() ({
        %run_scoped3A_118 = tpu.sem_alloc : memref<!tpu.dma_semaphore, #tpu.memory_space<semaphore_mem>>
        %dma_start3A_119 = arith.constant 0 : i32
        %dma_start3A_120 = tpu.memref_slice %arg9[%mul3A_117, %dma_start3A_119] : memref<10000x128xf32, #tpu.memory_space<vmem_shared>> -> memref<200x128xf32, #tpu.memory_space<vmem_shared>>
        tpu.enqueue_dma source(%arg4 : memref<200x128xf32, #tpu.memory_space<hbm>>) target(%dma_start3A_120 : memref<200x128xf32, #tpu.memory_space<vmem_shared>>) target_semaphore(%run_scoped3A_118 : memref<!tpu.dma_semaphore, #tpu.memory_space<semaphore_mem>>)
        %dma_wait3A_121 = arith.constant 0 : i32
        %dma_wait3A_122 = tpu.memref_slice %arg9[%mul3A_117, %dma_wait3A_121] : memref<10000x128xf32, #tpu.memory_space<vmem_shared>> -> memref<200x128xf32, #tpu.memory_space<vmem_shared>>
        tpu.wait_dma2 semaphore(%run_scoped3A_118 : memref<!tpu.dma_semaphore, #tpu.memory_space<semaphore_mem>>) src(%arg4 : memref<200x128xf32, #tpu.memory_space<hbm>>) dst(%dma_wait3A_122 : memref<200x128xf32, #tpu.memory_space<vmem_shared>>)
        tpu.yield
      }) : () -> ()
    } else {
    }
    %add3A_12 = arith.constant 32 : i32
    %add3A_13 = arith.addi %arg1, %add3A_12 : i32
    %lt3A_14 = arith.constant 50 : i32
    %lt3A_15 = arith.cmpi slt, %add3A_13, %lt3A_14 : i32
    %convert_element_type3A_16 = arith.extui %lt3A_15 : i1 to i32
    %cond3A_17 = arith.constant 0 : i32
    %cond3A_18 = arith.cmpi ne, %convert_element_type3A_16, %cond3A_17 : i32
    scf.if %cond3A_18 {
      %mul3A_116 = arith.constant 200 : i32
      %mul3A_117 = arith.muli %add3A_13, %mul3A_116 : i32
      "tpu.region"() ({
        %run_scoped3A_118 = tpu.sem_alloc : memref<!tpu.dma_semaphore, #tpu.memory_space<semaphore_mem>>
        %dma_start3A_119 = arith.constant 0 : i32
        %dma_start3A_120 = tpu.memref_slice %arg9[%mul3A_117, %dma_start3A_119] : memref<10000x128xf32, #tpu.memory_space<vmem_shared>> -> memref<200x128xf32, #tpu.memory_space<vmem_shared>>
        tpu.enqueue_dma source(%arg4 : memref<200x128xf32, #tpu.memory_space<hbm>>) target(%dma_start3A_120 : memref<200x128xf32, #tpu.memory_space<vmem_shared>>) target_semaphore(%run_scoped3A_118 : memref<!tpu.dma_semaphore, #tpu.memory_space<semaphore_mem>>)
        %dma_wait3A_121 = arith.constant 0 : i32
        %dma_wait3A_122 = tpu.memref_slice %arg9[%mul3A_117, %dma_wait3A_121] : memref<10000x128xf32, #tpu.memory_space<vmem_shared>> -> memref<200x128xf32, #tpu.memory_space<vmem_shared>>
        tpu.wait_dma2 semaphore(%run_scoped3A_118 : memref<!tpu.dma_semaphore, #tpu.memory_space<semaphore_mem>>) src(%arg4 : memref<200x128xf32, #tpu.memory_space<hbm>>) dst(%dma_wait3A_122 : memref<200x128xf32, #tpu.memory_space<vmem_shared>>)
        tpu.yield
      }) : () -> ()
    } else {
    }
    %add3A_19 = arith.constant 48 : i32
    %add3A_20 = arith.addi %arg1, %add3A_19 : i32
    %lt3A_21 = arith.constant 50 : i32
    %lt3A_22 = arith.cmpi slt, %add3A_20, %lt3A_21 : i32
    %convert_element_type3A_23 = arith.extui %lt3A_22 : i1 to i32
    %cond3A_24 = arith.constant 0 : i32
    %cond3A_25 = arith.cmpi ne, %convert_element_type3A_23, %cond3A_24 : i32
    scf.if %cond3A_25 {
      %mul3A_116 = arith.constant 200 : i32
      %mul3A_117 = arith.muli %add3A_20, %mul3A_116 : i32
      "tpu.region"() ({
        %run_scoped3A_118 = tpu.sem_alloc : memref<!tpu.dma_semaphore, #tpu.memory_space<semaphore_mem>>
        %dma_start3A_119 = arith.constant 0 : i32
        %dma_start3A_120 = tpu.memref_slice %arg9[%mul3A_117, %dma_start3A_119] : memref<10000x128xf32, #tpu.memory_space<vmem_shared>> -> memref<200x128xf32, #tpu.memory_space<vmem_shared>>
        tpu.enqueue_dma source(%arg4 : memref<200x128xf32, #tpu.memory_space<hbm>>) target(%dma_start3A_120 : memref<200x128xf32, #tpu.memory_space<vmem_shared>>) target_semaphore(%run_scoped3A_118 : memref<!tpu.dma_semaphore, #tpu.memory_space<semaphore_mem>>)
        %dma_wait3A_121 = arith.constant 0 : i32
        %dma_wait3A_122 = tpu.memref_slice %arg9[%mul3A_117, %dma_wait3A_121] : memref<10000x128xf32, #tpu.memory_space<vmem_shared>> -> memref<200x128xf32, #tpu.memory_space<vmem_shared>>
        tpu.wait_dma2 semaphore(%run_scoped3A_118 : memref<!tpu.dma_semaphore, #tpu.memory_space<semaphore_mem>>) src(%arg4 : memref<200x128xf32, #tpu.memory_space<hbm>>) dst(%dma_wait3A_122 : memref<200x128xf32, #tpu.memory_space<vmem_shared>>)
        tpu.yield
      }) : () -> ()
    } else {
    }
    %mul3A_26 = arith.constant 200 : i32
    %mul3A_27 = arith.muli %add3A, %mul3A_26 : i32
    %run_scoped3A = arith.constant 0 : i32
    %run_scoped3A_28 = arith.constant 0 : i32
    "tpu.region"() ({
      %run_scoped3A_116 = tpu.sem_alloc : memref<!tpu.dma_semaphore, #tpu.memory_space<semaphore_mem>>
      %dma_start3A_117 = arith.constant 0 : i32
      %dma_start3A_118 = arith.constant 0 : i32
      %dma_start3A_119 = tpu.memref_slice %arg6[%run_scoped3A_28, %dma_start3A_117, %dma_start3A_118] : memref<2x40x50xi32, #tpu.memory_space<vmem>> -> memref<1x40x50xi32, #tpu.memory_space<vmem>>
      %dma_start3A_120 = tpu.memref_squeeze %dma_start3A_119 : memref<1x40x50xi32, #tpu.memory_space<vmem>> -> memref<40x50xi32, #tpu.memory_space<vmem>>
      %dma_start3A_121 = arith.constant 0 : i32
      %dma_start3A_122 = tpu.memref_slice %arg3[%run_scoped3A, %mul3A_27, %dma_start3A_121] : memref<2x6400x50xi32, #tpu.memory_space<hbm>> -> memref<1x40x50xi32, #tpu.memory_space<hbm>>
      %dma_start3A_123 = tpu.memref_squeeze %dma_start3A_122 : memref<1x40x50xi32, #tpu.memory_space<hbm>> -> memref<40x50xi32, #tpu.memory_space<hbm>>
      %dma_start3A_124 = arith.constant 0 : i32
      %dma_start3A_125 = arith.constant 0 : i32
      %dma_start3A_126 = tpu.memref_slice %arg6[%run_scoped3A_28, %dma_start3A_124, %dma_start3A_125] : memref<2x40x50xi32, #tpu.memory_space<vmem>> -> memref<1x40x50xi32, #tpu.memory_space<vmem>>
      %dma_start3A_127 = tpu.memref_squeeze %dma_start3A_126 : memref<1x40x50xi32, #tpu.memory_space<vmem>> -> memref<40x50xi32, #tpu.memory_space<vmem>>
      %dma_start3A_128 = arith.constant 0 : i32
      %dma_start3A_129 = tpu.memref_slice %arg3[%run_scoped3A, %mul3A_27, %dma_start3A_128] : memref<2x6400x50xi32, #tpu.memory_space<hbm>> -> memref<1x40x50xi32, #tpu.memory_space<hbm>>
      %dma_start3A_130 = tpu.memref_squeeze %dma_start3A_129 : memref<1x40x50xi32, #tpu.memory_space<hbm>> -> memref<40x50xi32, #tpu.memory_space<hbm>>
      tpu.enqueue_dma source(%dma_start3A_130 : memref<40x50xi32, #tpu.memory_space<hbm>>) target(%dma_start3A_127 : memref<40x50xi32, #tpu.memory_space<vmem>>) target_semaphore(%run_scoped3A_116 : memref<!tpu.dma_semaphore, #tpu.memory_space<semaphore_mem>>)
      %dma_wait3A_131 = arith.constant 0 : i32
      %dma_wait3A_132 = arith.constant 0 : i32
      %dma_wait3A_133 = tpu.memref_slice %arg6[%run_scoped3A_28, %dma_wait3A_131, %dma_wait3A_132] : memref<2x40x50xi32, #tpu.memory_space<vmem>> -> memref<1x40x50xi32, #tpu.memory_space<vmem>>
      %dma_wait3A_134 = tpu.memref_squeeze %dma_wait3A_133 : memref<1x40x50xi32, #tpu.memory_space<vmem>> -> memref<40x50xi32, #tpu.memory_space<vmem>>
      %dma_wait3A_135 = arith.constant 0 : i32
      %dma_wait3A_136 = tpu.memref_slice %arg3[%run_scoped3A, %mul3A_27, %dma_wait3A_135] : memref<2x6400x50xi32, #tpu.memory_space<hbm>> -> memref<1x40x50xi32, #tpu.memory_space<hbm>>
      %dma_wait3A_137 = tpu.memref_squeeze %dma_wait3A_136 : memref<1x40x50xi32, #tpu.memory_space<hbm>> -> memref<40x50xi32, #tpu.memory_space<hbm>>
      %dma_wait3A_138 = arith.constant 0 : i32
      %dma_wait3A_139 = arith.constant 0 : i32
      %dma_wait3A_140 = tpu.memref_slice %arg6[%run_scoped3A_28, %dma_wait3A_138, %dma_wait3A_139] : memref<2x40x50xi32, #tpu.memory_space<vmem>> -> memref<1x40x50xi32, #tpu.memory_space<vmem>>
      %dma_wait3A_141 = tpu.memref_squeeze %dma_wait3A_140 : memref<1x40x50xi32, #tpu.memory_space<vmem>> -> memref<40x50xi32, #tpu.memory_space<vmem>>
      %dma_wait3A_142 = arith.constant 0 : i32
      %dma_wait3A_143 = tpu.memref_slice %arg3[%run_scoped3A, %mul3A_27, %dma_wait3A_142] : memref<2x6400x50xi32, #tpu.memory_space<hbm>> -> memref<1x40x50xi32, #tpu.memory_space<hbm>>
      %dma_wait3A_144 = tpu.memref_squeeze %dma_wait3A_143 : memref<1x40x50xi32, #tpu.memory_space<hbm>> -> memref<40x50xi32, #tpu.memory_space<hbm>>
      tpu.wait_dma2 semaphore(%run_scoped3A_116 : memref<!tpu.dma_semaphore, #tpu.memory_space<semaphore_mem>>) src(%dma_wait3A_144 : memref<40x50xi32, #tpu.memory_space<hbm>>) dst(%dma_wait3A_141 : memref<40x50xi32, #tpu.memory_space<vmem>>)
      tpu.yield
    }) : () -> ()
    %run_scoped3A_29 = arith.constant 1 : i32
    %run_scoped3A_30 = arith.constant 0 : i32
    "tpu.region"() ({
      %run_scoped3A_116 = tpu.sem_alloc : memref<!tpu.dma_semaphore, #tpu.memory_space<semaphore_mem>>
      %dma_start3A_117 = arith.constant 0 : i32
      %dma_start3A_118 = arith.constant 0 : i32
      %dma_start3A_119 = tpu.memref_slice %arg7[%run_scoped3A_30, %dma_start3A_117, %dma_start3A_118] : memref<2x40x50xi32, #tpu.memory_space<vmem>> -> memref<1x40x50xi32, #tpu.memory_space<vmem>>
      %dma_start3A_120 = tpu.memref_squeeze %dma_start3A_119 : memref<1x40x50xi32, #tpu.memory_space<vmem>> -> memref<40x50xi32, #tpu.memory_space<vmem>>
      %dma_start3A_121 = arith.constant 0 : i32
      %dma_start3A_122 = tpu.memref_slice %arg3[%run_scoped3A_29, %mul3A_27, %dma_start3A_121] : memref<2x6400x50xi32, #tpu.memory_space<hbm>> -> memref<1x40x50xi32, #tpu.memory_space<hbm>>
      %dma_start3A_123 = tpu.memref_squeeze %dma_start3A_122 : memref<1x40x50xi32, #tpu.memory_space<hbm>> -> memref<40x50xi32, #tpu.memory_space<hbm>>
      %dma_start3A_124 = arith.constant 0 : i32
      %dma_start3A_125 = arith.constant 0 : i32
      %dma_start3A_126 = tpu.memref_slice %arg7[%run_scoped3A_30, %dma_start3A_124, %dma_start3A_125] : memref<2x40x50xi32, #tpu.memory_space<vmem>> -> memref<1x40x50xi32, #tpu.memory_space<vmem>>
      %dma_start3A_127 = tpu.memref_squeeze %dma_start3A_126 : memref<1x40x50xi32, #tpu.memory_space<vmem>> -> memref<40x50xi32, #tpu.memory_space<vmem>>
      %dma_start3A_128 = arith.constant 0 : i32
      %dma_start3A_129 = tpu.memref_slice %arg3[%run_scoped3A_29, %mul3A_27, %dma_start3A_128] : memref<2x6400x50xi32, #tpu.memory_space<hbm>> -> memref<1x40x50xi32, #tpu.memory_space<hbm>>
      %dma_start3A_130 = tpu.memref_squeeze %dma_start3A_129 : memref<1x40x50xi32, #tpu.memory_space<hbm>> -> memref<40x50xi32, #tpu.memory_space<hbm>>
      tpu.enqueue_dma source(%dma_start3A_130 : memref<40x50xi32, #tpu.memory_space<hbm>>) target(%dma_start3A_127 : memref<40x50xi32, #tpu.memory_space<vmem>>) target_semaphore(%run_scoped3A_116 : memref<!tpu.dma_semaphore, #tpu.memory_space<semaphore_mem>>)
      %dma_wait3A_131 = arith.constant 0 : i32
      %dma_wait3A_132 = arith.constant 0 : i32
      %dma_wait3A_133 = tpu.memref_slice %arg7[%run_scoped3A_30, %dma_wait3A_131, %dma_wait3A_132] : memref<2x40x50xi32, #tpu.memory_space<vmem>> -> memref<1x40x50xi32, #tpu.memory_space<vmem>>
      %dma_wait3A_134 = tpu.memref_squeeze %dma_wait3A_133 : memref<1x40x50xi32, #tpu.memory_space<vmem>> -> memref<40x50xi32, #tpu.memory_space<vmem>>
      %dma_wait3A_135 = arith.constant 0 : i32
      %dma_wait3A_136 = tpu.memref_slice %arg3[%run_scoped3A_29, %mul3A_27, %dma_wait3A_135] : memref<2x6400x50xi32, #tpu.memory_space<hbm>> -> memref<1x40x50xi32, #tpu.memory_space<hbm>>
      %dma_wait3A_137 = tpu.memref_squeeze %dma_wait3A_136 : memref<1x40x50xi32, #tpu.memory_space<hbm>> -> memref<40x50xi32, #tpu.memory_space<hbm>>
      %dma_wait3A_138 = arith.constant 0 : i32
      %dma_wait3A_139 = arith.constant 0 : i32
      %dma_wait3A_140 = tpu.memref_slice %arg7[%run_scoped3A_30, %dma_wait3A_138, %dma_wait3A_139] : memref<2x40x50xi32, #tpu.memory_space<vmem>> -> memref<1x40x50xi32, #tpu.memory_space<vmem>>
      %dma_wait3A_141 = tpu.memref_squeeze %dma_wait3A_140 : memref<1x40x50xi32, #tpu.memory_space<vmem>> -> memref<40x50xi32, #tpu.memory_space<vmem>>
      %dma_wait3A_142 = arith.constant 0 : i32
      %dma_wait3A_143 = tpu.memref_slice %arg3[%run_scoped3A_29, %mul3A_27, %dma_wait3A_142] : memref<2x6400x50xi32, #tpu.memory_space<hbm>> -> memref<1x40x50xi32, #tpu.memory_space<hbm>>
      %dma_wait3A_144 = tpu.memref_squeeze %dma_wait3A_143 : memref<1x40x50xi32, #tpu.memory_space<hbm>> -> memref<40x50xi32, #tpu.memory_space<hbm>>
      tpu.wait_dma2 semaphore(%run_scoped3A_116 : memref<!tpu.dma_semaphore, #tpu.memory_space<semaphore_mem>>) src(%dma_wait3A_144 : memref<40x50xi32, #tpu.memory_space<hbm>>) dst(%dma_wait3A_141 : memref<40x50xi32, #tpu.memory_space<vmem>>)
      tpu.yield
    }) : () -> ()
    %dma_start3A = arith.constant 0 : i32
    %dma_start3A_31 = arith.constant 0 : i32
    %dma_start3A_32 = arith.constant 0 : i32
    %dma_start3A_33 = arith.constant 0 : i32
    %dma_start3A_34 = arith.constant 0 : i32
    %dma_start3A_35 = tpu.memref_slice %arg8[%dma_start3A_32, %dma_start3A_33, %dma_start3A_34] : memref<4x50x128xf32, #tpu.memory_space<vmem>> -> memref<1x50x128xf32, #tpu.memory_space<vmem>>
    %dma_start3A_36 = tpu.memref_squeeze %dma_start3A_35 : memref<1x50x128xf32, #tpu.memory_space<vmem>> -> memref<50x128xf32, #tpu.memory_space<vmem>>
    %dma_start3A_37 = arith.constant 0 : i32
    %dma_start3A_38 = tpu.memref_slice %arg6[%dma_start3A, %dma_start3A_31, %dma_start3A_37] : memref<2x40x50xi32, #tpu.memory_space<vmem>> -> memref<1x1x50xi32, #tpu.memory_space<vmem>>
    %dma_start3A_39 = tpu.memref_squeeze %dma_start3A_38 : memref<1x1x50xi32, #tpu.memory_space<vmem>> -> memref<50xi32, #tpu.memory_space<vmem>>
    %dma_start3A_40 = arith.constant 0 : i32
    %dma_start3A_41 = arith.constant 0 : i32
    %dma_start3A_42 = tpu.memref_slice %arg2[%dma_start3A_40, %dma_start3A_41] : memref<10000x128xf32, #tpu.memory_space<hbm>> -> memref<10000x128xf32, #tpu.memory_space<hbm>>
    tpu.enqueue_indirect_dma source(%dma_start3A_42 : memref<10000x128xf32, #tpu.memory_space<hbm>>) target(%dma_start3A_36 : memref<50x128xf32, #tpu.memory_space<vmem>>) offsets(%dma_start3A_39 : memref<50xi32, #tpu.memory_space<vmem>>) semaphore(%arg10 : memref<!tpu.dma_semaphore, #tpu.memory_space<semaphore_mem>>)
    %dma_start3A_43 = arith.constant 0 : i32
    %dma_start3A_44 = arith.constant 1 : i32
    %dma_start3A_45 = arith.constant 1 : i32
    %dma_start3A_46 = arith.constant 0 : i32
    %dma_start3A_47 = arith.constant 0 : i32
    %dma_start3A_48 = tpu.memref_slice %arg8[%dma_start3A_45, %dma_start3A_46, %dma_start3A_47] : memref<4x50x128xf32, #tpu.memory_space<vmem>> -> memref<1x50x128xf32, #tpu.memory_space<vmem>>
    %dma_start3A_49 = tpu.memref_squeeze %dma_start3A_48 : memref<1x50x128xf32, #tpu.memory_space<vmem>> -> memref<50x128xf32, #tpu.memory_space<vmem>>
    %dma_start3A_50 = arith.constant 0 : i32
    %dma_start3A_51 = tpu.memref_slice %arg6[%dma_start3A_43, %dma_start3A_44, %dma_start3A_50] : memref<2x40x50xi32, #tpu.memory_space<vmem>> -> memref<1x1x50xi32, #tpu.memory_space<vmem>>
    %dma_start3A_52 = tpu.memref_squeeze %dma_start3A_51 : memref<1x1x50xi32, #tpu.memory_space<vmem>> -> memref<50xi32, #tpu.memory_space<vmem>>
    %dma_start3A_53 = arith.constant 0 : i32
    %dma_start3A_54 = arith.constant 0 : i32
    %dma_start3A_55 = tpu.memref_slice %arg2[%dma_start3A_53, %dma_start3A_54] : memref<10000x128xf32, #tpu.memory_space<hbm>> -> memref<10000x128xf32, #tpu.memory_space<hbm>>
    tpu.enqueue_indirect_dma source(%dma_start3A_55 : memref<10000x128xf32, #tpu.memory_space<hbm>>) target(%dma_start3A_49 : memref<50x128xf32, #tpu.memory_space<vmem>>) offsets(%dma_start3A_52 : memref<50xi32, #tpu.memory_space<vmem>>) semaphore(%arg11 : memref<!tpu.dma_semaphore, #tpu.memory_space<semaphore_mem>>)
    %dma_start3A_56 = arith.constant 0 : i32
    %dma_start3A_57 = arith.constant 2 : i32
    %dma_start3A_58 = arith.constant 2 : i32
    %dma_start3A_59 = arith.constant 0 : i32
    %dma_start3A_60 = arith.constant 0 : i32
    %dma_start3A_61 = tpu.memref_slice %arg8[%dma_start3A_58, %dma_start3A_59, %dma_start3A_60] : memref<4x50x128xf32, #tpu.memory_space<vmem>> -> memref<1x50x128xf32, #tpu.memory_space<vmem>>
    %dma_start3A_62 = tpu.memref_squeeze %dma_start3A_61 : memref<1x50x128xf32, #tpu.memory_space<vmem>> -> memref<50x128xf32, #tpu.memory_space<vmem>>
    %dma_start3A_63 = arith.constant 0 : i32
    %dma_start3A_64 = tpu.memref_slice %arg6[%dma_start3A_56, %dma_start3A_57, %dma_start3A_63] : memref<2x40x50xi32, #tpu.memory_space<vmem>> -> memref<1x1x50xi32, #tpu.memory_space<vmem>>
    %dma_start3A_65 = tpu.memref_squeeze %dma_start3A_64 : memref<1x1x50xi32, #tpu.memory_space<vmem>> -> memref<50xi32, #tpu.memory_space<vmem>>
    %dma_start3A_66 = arith.constant 0 : i32
    %dma_start3A_67 = arith.constant 0 : i32
    %dma_start3A_68 = tpu.memref_slice %arg2[%dma_start3A_66, %dma_start3A_67] : memref<10000x128xf32, #tpu.memory_space<hbm>> -> memref<10000x128xf32, #tpu.memory_space<hbm>>
    tpu.enqueue_indirect_dma source(%dma_start3A_68 : memref<10000x128xf32, #tpu.memory_space<hbm>>) target(%dma_start3A_62 : memref<50x128xf32, #tpu.memory_space<vmem>>) offsets(%dma_start3A_65 : memref<50xi32, #tpu.memory_space<vmem>>) semaphore(%arg12 : memref<!tpu.dma_semaphore, #tpu.memory_space<semaphore_mem>>)
    %barrier3A = arith.constant 0 : index
    tpu.barrier barrier_id(%barrier3A)
    %scan3A = arith.constant 0 : i32
    %scan3A_69 = arith.constant 0 : i32
    %scan3A_70 = arith.constant 5 : i32
    %scan3A_71 = arith.addi %scan3A_69, %scan3A_70 : i32
    %scan3A_72 = arith.constant 1 : i32
    %scan3A_73 = scf.for %scan3A_116 = %scan3A_69 to %scan3A_71 step %scan3A_72 iter_args(%scan3A_117 = %scan3A) -> (i32)  : i32 {
      %jit3A = arith.constant 2 : i32
      %eq3A = arith.constant 0 : i32
      %eq3A_118 = arith.cmpi eq, %jit3A, %eq3A : i32
      %jit3A_119 = arith.constant 1 : i32
      %select_n3A = arith.select %eq3A_118, %jit3A_119, %jit3A : i32
      %rem3A = arith.remsi %scan3A_116, %select_n3A : i32
      %ne3A = arith.constant 0 : i32
      %ne3A_120 = arith.cmpi ne, %rem3A, %ne3A : i32
      %lt3A_121 = arith.constant 0 : i32
      %lt3A_122 = arith.cmpi slt, %rem3A, %lt3A_121 : i32
      %lt3A_123 = arith.constant 0 : i32
      %lt3A_124 = arith.cmpi slt, %select_n3A, %lt3A_123 : i32
      %ne3A_125 = arith.xori %lt3A_122, %lt3A_124 : i1
      %and3A = arith.andi %ne3A_125, %ne3A_120 : i1
      %add3A_126 = arith.addi %rem3A, %select_n3A : i32
      %select_n3A_127 = arith.select %and3A, %add3A_126, %rem3A : i32
      %add3A_128 = arith.constant 1 : i32
      %add3A_129 = arith.addi %scan3A_116, %add3A_128 : i32
      %jit3A_130 = arith.constant 2 : i32
      %eq3A_131 = arith.constant 0 : i32
      %eq3A_132 = arith.cmpi eq, %jit3A_130, %eq3A_131 : i32
      %jit3A_133 = arith.constant 1 : i32
      %select_n3A_134 = arith.select %eq3A_132, %jit3A_133, %jit3A_130 : i32
      %rem3A_135 = arith.remsi %add3A_129, %select_n3A_134 : i32
      %ne3A_136 = arith.constant 0 : i32
      %ne3A_137 = arith.cmpi ne, %rem3A_135, %ne3A_136 : i32
      %lt3A_138 = arith.constant 0 : i32
      %lt3A_139 = arith.cmpi slt, %rem3A_135, %lt3A_138 : i32
      %lt3A_140 = arith.constant 0 : i32
      %lt3A_141 = arith.cmpi slt, %select_n3A_134, %lt3A_140 : i32
      %ne3A_142 = arith.xori %lt3A_139, %lt3A_141 : i1
      %and3A_143 = arith.andi %ne3A_142, %ne3A_137 : i1
      %add3A_144 = arith.addi %rem3A_135, %select_n3A_134 : i32
      %select_n3A_145 = arith.select %and3A_143, %add3A_144, %rem3A_135 : i32
      %scan3A_146 = arith.constant 0 : i32
      %scan3A_147 = arith.constant 0 : i32
      %scan3A_148 = arith.constant 5 : i32
      %scan3A_149 = arith.addi %scan3A_147, %scan3A_148 : i32
      %scan3A_150 = arith.constant 1 : i32
      %scan3A_151 = scf.for %scan3A_154 = %scan3A_147 to %scan3A_149 step %scan3A_150 iter_args(%scan3A_155 = %scan3A_146) -> (i32)  : i32 {
        %mul3A_156 = arith.constant 8 : i32
        %mul3A_157 = arith.muli %scan3A_154, %mul3A_156 : i32
        %add3A_158 = arith.constant 0 : i32
        %add3A_159 = arith.addi %mul3A_157, %add3A_158 : i32
        %add3A_160 = arith.constant 3 : i32
        %add3A_161 = arith.addi %add3A_159, %add3A_160 : i32
        %gt3A = arith.constant 0 : i32
        %gt3A_162 = arith.cmpi sgt, %scan3A_116, %gt3A : i32
        %gt3A_163 = arith.constant 0 : i32
        %gt3A_164 = arith.cmpi sgt, %scan3A_154, %gt3A_163 : i32
        %or3A = arith.ori %gt3A_162, %gt3A_164 : i1
        %convert_element_type3A_165 = arith.extui %or3A : i1 to i32
        %cond3A_166 = arith.constant 0 : i32
        %cond3A_167 = arith.cmpi ne, %convert_element_type3A_165, %cond3A_166 : i32
        scf.if %cond3A_167 {
          %dma_wait3A_603 = arith.constant 3 : i32
          %dma_wait3A_604 = arith.constant 0 : i32
          %dma_wait3A_605 = arith.constant 0 : i32
          %dma_wait3A_606 = arith.constant 0 : i32
          %dma_wait3A_607 = arith.constant 0 : i32
          %dma_wait3A_608 = tpu.memref_slice %arg8[%dma_wait3A_603, %dma_wait3A_606, %dma_wait3A_607] : memref<4x50x128xf32, #tpu.memory_space<vmem>> -> memref<1x50x128xf32, #tpu.memory_space<vmem>>
          %dma_wait3A_609 = tpu.memref_squeeze %dma_wait3A_608 : memref<1x50x128xf32, #tpu.memory_space<vmem>> -> memref<50x128xf32, #tpu.memory_space<vmem>>
          %dma_wait3A_610 = arith.constant 0 : i32
          %dma_wait3A_611 = tpu.memref_slice %arg7[%dma_wait3A_604, %dma_wait3A_605, %dma_wait3A_610] : memref<2x40x50xi32, #tpu.memory_space<vmem>> -> memref<1x1x50xi32, #tpu.memory_space<vmem>>
          %dma_wait3A_612 = tpu.memref_squeeze %dma_wait3A_611 : memref<1x1x50xi32, #tpu.memory_space<vmem>> -> memref<50xi32, #tpu.memory_space<vmem>>
          %dma_wait3A_613 = arith.constant 0 : i32
          %dma_wait3A_614 = arith.constant 0 : i32
          %dma_wait3A_615 = tpu.memref_slice %arg9[%dma_wait3A_613, %dma_wait3A_614] : memref<10000x128xf32, #tpu.memory_space<vmem_shared>> -> memref<10000x128xf32, #tpu.memory_space<vmem_shared>>
          tpu.wait_indirect_dma semaphore(%arg17 : memref<!tpu.dma_semaphore, #tpu.memory_space<semaphore_mem>>) src(%dma_wait3A_609 : memref<50x128xf32, #tpu.memory_space<vmem>>) dst(%dma_wait3A_615 : memref<10000x128xf32, #tpu.memory_space<vmem_shared>>)
        } else {
        }
        %eq3A_168 = arith.constant 0 : i32
        %eq3A_169 = arith.cmpi eq, %scan3A_154, %eq3A_168 : i32
        %add3A_170 = arith.constant 1 : i32
        %add3A_171 = arith.addi %scan3A_116, %add3A_170 : i32
        %lt3A_172 = arith.constant 5 : i32
        %lt3A_173 = arith.cmpi slt, %add3A_171, %lt3A_172 : i32
        %and3A_174 = arith.andi %eq3A_169, %lt3A_173 : i1
        %convert_element_type3A_175 = arith.extui %and3A_174 : i1 to i32
        %cond3A_176 = arith.constant 0 : i32
        %cond3A_177 = arith.cmpi ne, %convert_element_type3A_175, %cond3A_176 : i32
        scf.if %cond3A_177 {
          %add3A_603 = arith.constant 1 : i32
          %add3A_604 = arith.addi %scan3A_116, %add3A_603 : i32
          %mul3A_605 = arith.constant 40 : i32
          %mul3A_606 = arith.muli %add3A_604, %mul3A_605 : i32
          %add3A_607 = arith.addi %mul3A_27, %mul3A_606 : i32
          %dma_start3A_608 = arith.constant 0 : i32
          %dma_start3A_609 = arith.constant 0 : i32
          %dma_start3A_610 = arith.constant 0 : i32
          %dma_start3A_611 = tpu.memref_slice %arg6[%select_n3A_145, %dma_start3A_609, %dma_start3A_610] : memref<2x40x50xi32, #tpu.memory_space<vmem>> -> memref<1x40x50xi32, #tpu.memory_space<vmem>>
          %dma_start3A_612 = tpu.memref_squeeze %dma_start3A_611 : memref<1x40x50xi32, #tpu.memory_space<vmem>> -> memref<40x50xi32, #tpu.memory_space<vmem>>
          %dma_start3A_613 = arith.constant 0 : i32
          %dma_start3A_614 = tpu.memref_slice %arg3[%dma_start3A_608, %add3A_607, %dma_start3A_613] : memref<2x6400x50xi32, #tpu.memory_space<hbm>> -> memref<1x40x50xi32, #tpu.memory_space<hbm>>
          %dma_start3A_615 = tpu.memref_squeeze %dma_start3A_614 : memref<1x40x50xi32, #tpu.memory_space<hbm>> -> memref<40x50xi32, #tpu.memory_space<hbm>>
          %dma_start3A_616 = arith.constant 0 : i32
          %dma_start3A_617 = arith.constant 0 : i32
          %dma_start3A_618 = tpu.memref_slice %arg6[%select_n3A_145, %dma_start3A_616, %dma_start3A_617] : memref<2x40x50xi32, #tpu.memory_space<vmem>> -> memref<1x40x50xi32, #tpu.memory_space<vmem>>
          %dma_start3A_619 = tpu.memref_squeeze %dma_start3A_618 : memref<1x40x50xi32, #tpu.memory_space<vmem>> -> memref<40x50xi32, #tpu.memory_space<vmem>>
          %dma_start3A_620 = arith.constant 0 : i32
          %dma_start3A_621 = tpu.memref_slice %arg3[%dma_start3A_608, %add3A_607, %dma_start3A_620] : memref<2x6400x50xi32, #tpu.memory_space<hbm>> -> memref<1x40x50xi32, #tpu.memory_space<hbm>>
          %dma_start3A_622 = tpu.memref_squeeze %dma_start3A_621 : memref<1x40x50xi32, #tpu.memory_space<hbm>> -> memref<40x50xi32, #tpu.memory_space<hbm>>
          tpu.enqueue_dma source(%dma_start3A_622 : memref<40x50xi32, #tpu.memory_space<hbm>>) target(%dma_start3A_619 : memref<40x50xi32, #tpu.memory_space<vmem>>) target_semaphore(%arg18 : memref<!tpu.dma_semaphore, #tpu.memory_space<semaphore_mem>>)
          %dma_start3A_623 = arith.constant 1 : i32
          %dma_start3A_624 = arith.constant 0 : i32
          %dma_start3A_625 = arith.constant 0 : i32
          %dma_start3A_626 = tpu.memref_slice %arg7[%select_n3A_145, %dma_start3A_624, %dma_start3A_625] : memref<2x40x50xi32, #tpu.memory_space<vmem>> -> memref<1x40x50xi32, #tpu.memory_space<vmem>>
          %dma_start3A_627 = tpu.memref_squeeze %dma_start3A_626 : memref<1x40x50xi32, #tpu.memory_space<vmem>> -> memref<40x50xi32, #tpu.memory_space<vmem>>
          %dma_start3A_628 = arith.constant 0 : i32
          %dma_start3A_629 = tpu.memref_slice %arg3[%dma_start3A_623, %add3A_607, %dma_start3A_628] : memref<2x6400x50xi32, #tpu.memory_space<hbm>> -> memref<1x40x50xi32, #tpu.memory_space<hbm>>
          %dma_start3A_630 = tpu.memref_squeeze %dma_start3A_629 : memref<1x40x50xi32, #tpu.memory_space<hbm>> -> memref<40x50xi32, #tpu.memory_space<hbm>>
          %dma_start3A_631 = arith.constant 0 : i32
          %dma_start3A_632 = arith.constant 0 : i32
          %dma_start3A_633 = tpu.memref_slice %arg7[%select_n3A_145, %dma_start3A_631, %dma_start3A_632] : memref<2x40x50xi32, #tpu.memory_space<vmem>> -> memref<1x40x50xi32, #tpu.memory_space<vmem>>
          %dma_start3A_634 = tpu.memref_squeeze %dma_start3A_633 : memref<1x40x50xi32, #tpu.memory_space<vmem>> -> memref<40x50xi32, #tpu.memory_space<vmem>>
          %dma_start3A_635 = arith.constant 0 : i32
          %dma_start3A_636 = tpu.memref_slice %arg3[%dma_start3A_623, %add3A_607, %dma_start3A_635] : memref<2x6400x50xi32, #tpu.memory_space<hbm>> -> memref<1x40x50xi32, #tpu.memory_space<hbm>>
          %dma_start3A_637 = tpu.memref_squeeze %dma_start3A_636 : memref<1x40x50xi32, #tpu.memory_space<hbm>> -> memref<40x50xi32, #tpu.memory_space<hbm>>
          tpu.enqueue_dma source(%dma_start3A_637 : memref<40x50xi32, #tpu.memory_space<hbm>>) target(%dma_start3A_634 : memref<40x50xi32, #tpu.memory_space<vmem>>) target_semaphore(%arg19 : memref<!tpu.dma_semaphore, #tpu.memory_space<semaphore_mem>>)
        } else {
        }
        %dma_start3A_178 = arith.constant 3 : i32
        %dma_start3A_179 = arith.constant 0 : i32
        %dma_start3A_180 = arith.constant 0 : i32
        %dma_start3A_181 = tpu.memref_slice %arg8[%dma_start3A_178, %dma_start3A_179, %dma_start3A_180] : memref<4x50x128xf32, #tpu.memory_space<vmem>> -> memref<1x50x128xf32, #tpu.memory_space<vmem>>
        %dma_start3A_182 = tpu.memref_squeeze %dma_start3A_181 : memref<1x50x128xf32, #tpu.memory_space<vmem>> -> memref<50x128xf32, #tpu.memory_space<vmem>>
        %dma_start3A_183 = arith.constant 0 : i32
        %dma_start3A_184 = tpu.memref_slice %arg6[%select_n3A_127, %add3A_161, %dma_start3A_183] : memref<2x40x50xi32, #tpu.memory_space<vmem>> -> memref<1x1x50xi32, #tpu.memory_space<vmem>>
        %dma_start3A_185 = tpu.memref_squeeze %dma_start3A_184 : memref<1x1x50xi32, #tpu.memory_space<vmem>> -> memref<50xi32, #tpu.memory_space<vmem>>
        %dma_start3A_186 = arith.constant 0 : i32
        %dma_start3A_187 = arith.constant 0 : i32
        %dma_start3A_188 = tpu.memref_slice %arg2[%dma_start3A_186, %dma_start3A_187] : memref<10000x128xf32, #tpu.memory_space<hbm>> -> memref<10000x128xf32, #tpu.memory_space<hbm>>
        tpu.enqueue_indirect_dma source(%dma_start3A_188 : memref<10000x128xf32, #tpu.memory_space<hbm>>) target(%dma_start3A_182 : memref<50x128xf32, #tpu.memory_space<vmem>>) offsets(%dma_start3A_185 : memref<50xi32, #tpu.memory_space<vmem>>) semaphore(%arg13 : memref<!tpu.dma_semaphore, #tpu.memory_space<semaphore_mem>>)
        %dma_wait3A_189 = arith.constant 0 : i32
        %dma_wait3A_190 = arith.constant 0 : i32
        %dma_wait3A_191 = arith.constant 0 : i32
        %dma_wait3A_192 = arith.constant 0 : i32
        %dma_wait3A_193 = arith.constant 0 : i32
        %dma_wait3A_194 = tpu.memref_slice %arg8[%dma_wait3A_191, %dma_wait3A_192, %dma_wait3A_193] : memref<4x50x128xf32, #tpu.memory_space<vmem>> -> memref<1x50x128xf32, #tpu.memory_space<vmem>>
        %dma_wait3A_195 = tpu.memref_squeeze %dma_wait3A_194 : memref<1x50x128xf32, #tpu.memory_space<vmem>> -> memref<50x128xf32, #tpu.memory_space<vmem>>
        %dma_wait3A_196 = arith.constant 0 : i32
        %dma_wait3A_197 = tpu.memref_slice %arg6[%dma_wait3A_189, %dma_wait3A_190, %dma_wait3A_196] : memref<2x40x50xi32, #tpu.memory_space<vmem>> -> memref<1x1x50xi32, #tpu.memory_space<vmem>>
        %dma_wait3A_198 = tpu.memref_squeeze %dma_wait3A_197 : memref<1x1x50xi32, #tpu.memory_space<vmem>> -> memref<50xi32, #tpu.memory_space<vmem>>
        %dma_wait3A_199 = arith.constant 0 : i32
        %dma_wait3A_200 = arith.constant 0 : i32
        %dma_wait3A_201 = tpu.memref_slice %arg2[%dma_wait3A_199, %dma_wait3A_200] : memref<10000x128xf32, #tpu.memory_space<hbm>> -> memref<10000x128xf32, #tpu.memory_space<hbm>>
        tpu.wait_indirect_dma semaphore(%arg10 : memref<!tpu.dma_semaphore, #tpu.memory_space<semaphore_mem>>) src(%dma_wait3A_201 : memref<10000x128xf32, #tpu.memory_space<hbm>>) dst(%dma_wait3A_195 : memref<50x128xf32, #tpu.memory_space<vmem>>)
        %dma_start3A_202 = arith.constant 0 : i32
        %dma_start3A_203 = arith.constant 0 : i32
        %dma_start3A_204 = arith.constant 0 : i32
        %dma_start3A_205 = tpu.memref_slice %arg8[%dma_start3A_202, %dma_start3A_203, %dma_start3A_204] : memref<4x50x128xf32, #tpu.memory_space<vmem>> -> memref<1x50x128xf32, #tpu.memory_space<vmem>>
        %dma_start3A_206 = tpu.memref_squeeze %dma_start3A_205 : memref<1x50x128xf32, #tpu.memory_space<vmem>> -> memref<50x128xf32, #tpu.memory_space<vmem>>
        %dma_start3A_207 = arith.constant 0 : i32
        %dma_start3A_208 = tpu.memref_slice %arg7[%select_n3A_127, %add3A_159, %dma_start3A_207] : memref<2x40x50xi32, #tpu.memory_space<vmem>> -> memref<1x1x50xi32, #tpu.memory_space<vmem>>
        %dma_start3A_209 = tpu.memref_squeeze %dma_start3A_208 : memref<1x1x50xi32, #tpu.memory_space<vmem>> -> memref<50xi32, #tpu.memory_space<vmem>>
        %dma_start3A_210 = arith.constant 0 : i32
        %dma_start3A_211 = arith.constant 0 : i32
        %dma_start3A_212 = tpu.memref_slice %arg9[%dma_start3A_210, %dma_start3A_211] : memref<10000x128xf32, #tpu.memory_space<vmem_shared>> -> memref<10000x128xf32, #tpu.memory_space<vmem_shared>>
        tpu.enqueue_indirect_dma source(%dma_start3A_206 : memref<50x128xf32, #tpu.memory_space<vmem>>) target(%dma_start3A_212 : memref<10000x128xf32, #tpu.memory_space<vmem_shared>>) offsets(%dma_start3A_209 : memref<50xi32, #tpu.memory_space<vmem>>) semaphore(%arg14 : memref<!tpu.dma_semaphore, #tpu.memory_space<semaphore_mem>>) {add = true}
        %mul3A_213 = arith.constant 8 : i32
        %mul3A_214 = arith.muli %scan3A_154, %mul3A_213 : i32
        %add3A_215 = arith.constant 1 : i32
        %add3A_216 = arith.addi %mul3A_214, %add3A_215 : i32
        %add3A_217 = arith.constant 3 : i32
        %add3A_218 = arith.addi %add3A_216, %add3A_217 : i32
        %dma_wait3A_219 = arith.constant 0 : i32
        %dma_wait3A_220 = arith.constant 0 : i32
        %dma_wait3A_221 = arith.constant 0 : i32
        %dma_wait3A_222 = arith.constant 0 : i32
        %dma_wait3A_223 = arith.constant 0 : i32
        %dma_wait3A_224 = tpu.memref_slice %arg8[%dma_wait3A_219, %dma_wait3A_222, %dma_wait3A_223] : memref<4x50x128xf32, #tpu.memory_space<vmem>> -> memref<1x50x128xf32, #tpu.memory_space<vmem>>
        %dma_wait3A_225 = tpu.memref_squeeze %dma_wait3A_224 : memref<1x50x128xf32, #tpu.memory_space<vmem>> -> memref<50x128xf32, #tpu.memory_space<vmem>>
        %dma_wait3A_226 = arith.constant 0 : i32
        %dma_wait3A_227 = tpu.memref_slice %arg7[%dma_wait3A_220, %dma_wait3A_221, %dma_wait3A_226] : memref<2x40x50xi32, #tpu.memory_space<vmem>> -> memref<1x1x50xi32, #tpu.memory_space<vmem>>
        %dma_wait3A_228 = tpu.memref_squeeze %dma_wait3A_227 : memref<1x1x50xi32, #tpu.memory_space<vmem>> -> memref<50xi32, #tpu.memory_space<vmem>>
        %dma_wait3A_229 = arith.constant 0 : i32
        %dma_wait3A_230 = arith.constant 0 : i32
        %dma_wait3A_231 = tpu.memref_slice %arg9[%dma_wait3A_229, %dma_wait3A_230] : memref<10000x128xf32, #tpu.memory_space<vmem_shared>> -> memref<10000x128xf32, #tpu.memory_space<vmem_shared>>
        tpu.wait_indirect_dma semaphore(%arg14 : memref<!tpu.dma_semaphore, #tpu.memory_space<semaphore_mem>>) src(%dma_wait3A_225 : memref<50x128xf32, #tpu.memory_space<vmem>>) dst(%dma_wait3A_231 : memref<10000x128xf32, #tpu.memory_space<vmem_shared>>)
        %dma_start3A_232 = arith.constant 0 : i32
        %dma_start3A_233 = arith.constant 0 : i32
        %dma_start3A_234 = arith.constant 0 : i32
        %dma_start3A_235 = tpu.memref_slice %arg8[%dma_start3A_232, %dma_start3A_233, %dma_start3A_234] : memref<4x50x128xf32, #tpu.memory_space<vmem>> -> memref<1x50x128xf32, #tpu.memory_space<vmem>>
        %dma_start3A_236 = tpu.memref_squeeze %dma_start3A_235 : memref<1x50x128xf32, #tpu.memory_space<vmem>> -> memref<50x128xf32, #tpu.memory_space<vmem>>
        %dma_start3A_237 = arith.constant 0 : i32
        %dma_start3A_238 = tpu.memref_slice %arg6[%select_n3A_127, %add3A_218, %dma_start3A_237] : memref<2x40x50xi32, #tpu.memory_space<vmem>> -> memref<1x1x50xi32, #tpu.memory_space<vmem>>
        %dma_start3A_239 = tpu.memref_squeeze %dma_start3A_238 : memref<1x1x50xi32, #tpu.memory_space<vmem>> -> memref<50xi32, #tpu.memory_space<vmem>>
        %dma_start3A_240 = arith.constant 0 : i32
        %dma_start3A_241 = arith.constant 0 : i32
        %dma_start3A_242 = tpu.memref_slice %arg2[%dma_start3A_240, %dma_start3A_241] : memref<10000x128xf32, #tpu.memory_space<hbm>> -> memref<10000x128xf32, #tpu.memory_space<hbm>>
        tpu.enqueue_indirect_dma source(%dma_start3A_242 : memref<10000x128xf32, #tpu.memory_space<hbm>>) target(%dma_start3A_236 : memref<50x128xf32, #tpu.memory_space<vmem>>) offsets(%dma_start3A_239 : memref<50xi32, #tpu.memory_space<vmem>>) semaphore(%arg10 : memref<!tpu.dma_semaphore, #tpu.memory_space<semaphore_mem>>)
        %dma_wait3A_243 = arith.constant 0 : i32
        %dma_wait3A_244 = arith.constant 0 : i32
        %dma_wait3A_245 = arith.constant 1 : i32
        %dma_wait3A_246 = arith.constant 0 : i32
        %dma_wait3A_247 = arith.constant 0 : i32
        %dma_wait3A_248 = tpu.memref_slice %arg8[%dma_wait3A_245, %dma_wait3A_246, %dma_wait3A_247] : memref<4x50x128xf32, #tpu.memory_space<vmem>> -> memref<1x50x128xf32, #tpu.memory_space<vmem>>
        %dma_wait3A_249 = tpu.memref_squeeze %dma_wait3A_248 : memref<1x50x128xf32, #tpu.memory_space<vmem>> -> memref<50x128xf32, #tpu.memory_space<vmem>>
        %dma_wait3A_250 = arith.constant 0 : i32
        %dma_wait3A_251 = tpu.memref_slice %arg6[%dma_wait3A_243, %dma_wait3A_244, %dma_wait3A_250] : memref<2x40x50xi32, #tpu.memory_space<vmem>> -> memref<1x1x50xi32, #tpu.memory_space<vmem>>
        %dma_wait3A_252 = tpu.memref_squeeze %dma_wait3A_251 : memref<1x1x50xi32, #tpu.memory_space<vmem>> -> memref<50xi32, #tpu.memory_space<vmem>>
        %dma_wait3A_253 = arith.constant 0 : i32
        %dma_wait3A_254 = arith.constant 0 : i32
        %dma_wait3A_255 = tpu.memref_slice %arg2[%dma_wait3A_253, %dma_wait3A_254] : memref<10000x128xf32, #tpu.memory_space<hbm>> -> memref<10000x128xf32, #tpu.memory_space<hbm>>
        tpu.wait_indirect_dma semaphore(%arg11 : memref<!tpu.dma_semaphore, #tpu.memory_space<semaphore_mem>>) src(%dma_wait3A_255 : memref<10000x128xf32, #tpu.memory_space<hbm>>) dst(%dma_wait3A_249 : memref<50x128xf32, #tpu.memory_space<vmem>>)
        %dma_start3A_256 = arith.constant 1 : i32
        %dma_start3A_257 = arith.constant 0 : i32
        %dma_start3A_258 = arith.constant 0 : i32
        %dma_start3A_259 = tpu.memref_slice %arg8[%dma_start3A_256, %dma_start3A_257, %dma_start3A_258] : memref<4x50x128xf32, #tpu.memory_space<vmem>> -> memref<1x50x128xf32, #tpu.memory_space<vmem>>
        %dma_start3A_260 = tpu.memref_squeeze %dma_start3A_259 : memref<1x50x128xf32, #tpu.memory_space<vmem>> -> memref<50x128xf32, #tpu.memory_space<vmem>>
        %dma_start3A_261 = arith.constant 0 : i32
        %dma_start3A_262 = tpu.memref_slice %arg7[%select_n3A_127, %add3A_216, %dma_start3A_261] : memref<2x40x50xi32, #tpu.memory_space<vmem>> -> memref<1x1x50xi32, #tpu.memory_space<vmem>>
        %dma_start3A_263 = tpu.memref_squeeze %dma_start3A_262 : memref<1x1x50xi32, #tpu.memory_space<vmem>> -> memref<50xi32, #tpu.memory_space<vmem>>
        %dma_start3A_264 = arith.constant 0 : i32
        %dma_start3A_265 = arith.constant 0 : i32
        %dma_start3A_266 = tpu.memref_slice %arg9[%dma_start3A_264, %dma_start3A_265] : memref<10000x128xf32, #tpu.memory_space<vmem_shared>> -> memref<10000x128xf32, #tpu.memory_space<vmem_shared>>
        tpu.enqueue_indirect_dma source(%dma_start3A_260 : memref<50x128xf32, #tpu.memory_space<vmem>>) target(%dma_start3A_266 : memref<10000x128xf32, #tpu.memory_space<vmem_shared>>) offsets(%dma_start3A_263 : memref<50xi32, #tpu.memory_space<vmem>>) semaphore(%arg15 : memref<!tpu.dma_semaphore, #tpu.memory_space<semaphore_mem>>) {add = true}
        %mul3A_267 = arith.constant 8 : i32
        %mul3A_268 = arith.muli %scan3A_154, %mul3A_267 : i32
        %add3A_269 = arith.constant 2 : i32
        %add3A_270 = arith.addi %mul3A_268, %add3A_269 : i32
        %add3A_271 = arith.constant 3 : i32
        %add3A_272 = arith.addi %add3A_270, %add3A_271 : i32
        %dma_wait3A_273 = arith.constant 1 : i32
        %dma_wait3A_274 = arith.constant 0 : i32
        %dma_wait3A_275 = arith.constant 0 : i32
        %dma_wait3A_276 = arith.constant 0 : i32
        %dma_wait3A_277 = arith.constant 0 : i32
        %dma_wait3A_278 = tpu.memref_slice %arg8[%dma_wait3A_273, %dma_wait3A_276, %dma_wait3A_277] : memref<4x50x128xf32, #tpu.memory_space<vmem>> -> memref<1x50x128xf32, #tpu.memory_space<vmem>>
        %dma_wait3A_279 = tpu.memref_squeeze %dma_wait3A_278 : memref<1x50x128xf32, #tpu.memory_space<vmem>> -> memref<50x128xf32, #tpu.memory_space<vmem>>
        %dma_wait3A_280 = arith.constant 0 : i32
        %dma_wait3A_281 = tpu.memref_slice %arg7[%dma_wait3A_274, %dma_wait3A_275, %dma_wait3A_280] : memref<2x40x50xi32, #tpu.memory_space<vmem>> -> memref<1x1x50xi32, #tpu.memory_space<vmem>>
        %dma_wait3A_282 = tpu.memref_squeeze %dma_wait3A_281 : memref<1x1x50xi32, #tpu.memory_space<vmem>> -> memref<50xi32, #tpu.memory_space<vmem>>
        %dma_wait3A_283 = arith.constant 0 : i32
        %dma_wait3A_284 = arith.constant 0 : i32
        %dma_wait3A_285 = tpu.memref_slice %arg9[%dma_wait3A_283, %dma_wait3A_284] : memref<10000x128xf32, #tpu.memory_space<vmem_shared>> -> memref<10000x128xf32, #tpu.memory_space<vmem_shared>>
        tpu.wait_indirect_dma semaphore(%arg15 : memref<!tpu.dma_semaphore, #tpu.memory_space<semaphore_mem>>) src(%dma_wait3A_279 : memref<50x128xf32, #tpu.memory_space<vmem>>) dst(%dma_wait3A_285 : memref<10000x128xf32, #tpu.memory_space<vmem_shared>>)
        %dma_start3A_286 = arith.constant 1 : i32
        %dma_start3A_287 = arith.constant 0 : i32
        %dma_start3A_288 = arith.constant 0 : i32
        %dma_start3A_289 = tpu.memref_slice %arg8[%dma_start3A_286, %dma_start3A_287, %dma_start3A_288] : memref<4x50x128xf32, #tpu.memory_space<vmem>> -> memref<1x50x128xf32, #tpu.memory_space<vmem>>
        %dma_start3A_290 = tpu.memref_squeeze %dma_start3A_289 : memref<1x50x128xf32, #tpu.memory_space<vmem>> -> memref<50x128xf32, #tpu.memory_space<vmem>>
        %dma_start3A_291 = arith.constant 0 : i32
        %dma_start3A_292 = tpu.memref_slice %arg6[%select_n3A_127, %add3A_272, %dma_start3A_291] : memref<2x40x50xi32, #tpu.memory_space<vmem>> -> memref<1x1x50xi32, #tpu.memory_space<vmem>>
        %dma_start3A_293 = tpu.memref_squeeze %dma_start3A_292 : memref<1x1x50xi32, #tpu.memory_space<vmem>> -> memref<50xi32, #tpu.memory_space<vmem>>
        %dma_start3A_294 = arith.constant 0 : i32
        %dma_start3A_295 = arith.constant 0 : i32
        %dma_start3A_296 = tpu.memref_slice %arg2[%dma_start3A_294, %dma_start3A_295] : memref<10000x128xf32, #tpu.memory_space<hbm>> -> memref<10000x128xf32, #tpu.memory_space<hbm>>
        tpu.enqueue_indirect_dma source(%dma_start3A_296 : memref<10000x128xf32, #tpu.memory_space<hbm>>) target(%dma_start3A_290 : memref<50x128xf32, #tpu.memory_space<vmem>>) offsets(%dma_start3A_293 : memref<50xi32, #tpu.memory_space<vmem>>) semaphore(%arg11 : memref<!tpu.dma_semaphore, #tpu.memory_space<semaphore_mem>>)
        %dma_wait3A_297 = arith.constant 0 : i32
        %dma_wait3A_298 = arith.constant 0 : i32
        %dma_wait3A_299 = arith.constant 2 : i32
        %dma_wait3A_300 = arith.constant 0 : i32
        %dma_wait3A_301 = arith.constant 0 : i32
        %dma_wait3A_302 = tpu.memref_slice %arg8[%dma_wait3A_299, %dma_wait3A_300, %dma_wait3A_301] : memref<4x50x128xf32, #tpu.memory_space<vmem>> -> memref<1x50x128xf32, #tpu.memory_space<vmem>>
        %dma_wait3A_303 = tpu.memref_squeeze %dma_wait3A_302 : memref<1x50x128xf32, #tpu.memory_space<vmem>> -> memref<50x128xf32, #tpu.memory_space<vmem>>
        %dma_wait3A_304 = arith.constant 0 : i32
        %dma_wait3A_305 = tpu.memref_slice %arg6[%dma_wait3A_297, %dma_wait3A_298, %dma_wait3A_304] : memref<2x40x50xi32, #tpu.memory_space<vmem>> -> memref<1x1x50xi32, #tpu.memory_space<vmem>>
        %dma_wait3A_306 = tpu.memref_squeeze %dma_wait3A_305 : memref<1x1x50xi32, #tpu.memory_space<vmem>> -> memref<50xi32, #tpu.memory_space<vmem>>
        %dma_wait3A_307 = arith.constant 0 : i32
        %dma_wait3A_308 = arith.constant 0 : i32
        %dma_wait3A_309 = tpu.memref_slice %arg2[%dma_wait3A_307, %dma_wait3A_308] : memref<10000x128xf32, #tpu.memory_space<hbm>> -> memref<10000x128xf32, #tpu.memory_space<hbm>>
        tpu.wait_indirect_dma semaphore(%arg12 : memref<!tpu.dma_semaphore, #tpu.memory_space<semaphore_mem>>) src(%dma_wait3A_309 : memref<10000x128xf32, #tpu.memory_space<hbm>>) dst(%dma_wait3A_303 : memref<50x128xf32, #tpu.memory_space<vmem>>)
        %dma_start3A_310 = arith.constant 2 : i32
        %dma_start3A_311 = arith.constant 0 : i32
        %dma_start3A_312 = arith.constant 0 : i32
        %dma_start3A_313 = tpu.memref_slice %arg8[%dma_start3A_310, %dma_start3A_311, %dma_start3A_312] : memref<4x50x128xf32, #tpu.memory_space<vmem>> -> memref<1x50x128xf32, #tpu.memory_space<vmem>>
        %dma_start3A_314 = tpu.memref_squeeze %dma_start3A_313 : memref<1x50x128xf32, #tpu.memory_space<vmem>> -> memref<50x128xf32, #tpu.memory_space<vmem>>
        %dma_start3A_315 = arith.constant 0 : i32
        %dma_start3A_316 = tpu.memref_slice %arg7[%select_n3A_127, %add3A_270, %dma_start3A_315] : memref<2x40x50xi32, #tpu.memory_space<vmem>> -> memref<1x1x50xi32, #tpu.memory_space<vmem>>
        %dma_start3A_317 = tpu.memref_squeeze %dma_start3A_316 : memref<1x1x50xi32, #tpu.memory_space<vmem>> -> memref<50xi32, #tpu.memory_space<vmem>>
        %dma_start3A_318 = arith.constant 0 : i32
        %dma_start3A_319 = arith.constant 0 : i32
        %dma_start3A_320 = tpu.memref_slice %arg9[%dma_start3A_318, %dma_start3A_319] : memref<10000x128xf32, #tpu.memory_space<vmem_shared>> -> memref<10000x128xf32, #tpu.memory_space<vmem_shared>>
        tpu.enqueue_indirect_dma source(%dma_start3A_314 : memref<50x128xf32, #tpu.memory_space<vmem>>) target(%dma_start3A_320 : memref<10000x128xf32, #tpu.memory_space<vmem_shared>>) offsets(%dma_start3A_317 : memref<50xi32, #tpu.memory_space<vmem>>) semaphore(%arg16 : memref<!tpu.dma_semaphore, #tpu.memory_space<semaphore_mem>>) {add = true}
        %mul3A_321 = arith.constant 8 : i32
        %mul3A_322 = arith.muli %scan3A_154, %mul3A_321 : i32
        %add3A_323 = arith.constant 3 : i32
        %add3A_324 = arith.addi %mul3A_322, %add3A_323 : i32
        %add3A_325 = arith.constant 3 : i32
        %add3A_326 = arith.addi %add3A_324, %add3A_325 : i32
        %dma_wait3A_327 = arith.constant 2 : i32
        %dma_wait3A_328 = arith.constant 0 : i32
        %dma_wait3A_329 = arith.constant 0 : i32
        %dma_wait3A_330 = arith.constant 0 : i32
        %dma_wait3A_331 = arith.constant 0 : i32
        %dma_wait3A_332 = tpu.memref_slice %arg8[%dma_wait3A_327, %dma_wait3A_330, %dma_wait3A_331] : memref<4x50x128xf32, #tpu.memory_space<vmem>> -> memref<1x50x128xf32, #tpu.memory_space<vmem>>
        %dma_wait3A_333 = tpu.memref_squeeze %dma_wait3A_332 : memref<1x50x128xf32, #tpu.memory_space<vmem>> -> memref<50x128xf32, #tpu.memory_space<vmem>>
        %dma_wait3A_334 = arith.constant 0 : i32
        %dma_wait3A_335 = tpu.memref_slice %arg7[%dma_wait3A_328, %dma_wait3A_329, %dma_wait3A_334] : memref<2x40x50xi32, #tpu.memory_space<vmem>> -> memref<1x1x50xi32, #tpu.memory_space<vmem>>
        %dma_wait3A_336 = tpu.memref_squeeze %dma_wait3A_335 : memref<1x1x50xi32, #tpu.memory_space<vmem>> -> memref<50xi32, #tpu.memory_space<vmem>>
        %dma_wait3A_337 = arith.constant 0 : i32
        %dma_wait3A_338 = arith.constant 0 : i32
        %dma_wait3A_339 = tpu.memref_slice %arg9[%dma_wait3A_337, %dma_wait3A_338] : memref<10000x128xf32, #tpu.memory_space<vmem_shared>> -> memref<10000x128xf32, #tpu.memory_space<vmem_shared>>
        tpu.wait_indirect_dma semaphore(%arg16 : memref<!tpu.dma_semaphore, #tpu.memory_space<semaphore_mem>>) src(%dma_wait3A_333 : memref<50x128xf32, #tpu.memory_space<vmem>>) dst(%dma_wait3A_339 : memref<10000x128xf32, #tpu.memory_space<vmem_shared>>)
        %dma_start3A_340 = arith.constant 2 : i32
        %dma_start3A_341 = arith.constant 0 : i32
        %dma_start3A_342 = arith.constant 0 : i32
        %dma_start3A_343 = tpu.memref_slice %arg8[%dma_start3A_340, %dma_start3A_341, %dma_start3A_342] : memref<4x50x128xf32, #tpu.memory_space<vmem>> -> memref<1x50x128xf32, #tpu.memory_space<vmem>>
        %dma_start3A_344 = tpu.memref_squeeze %dma_start3A_343 : memref<1x50x128xf32, #tpu.memory_space<vmem>> -> memref<50x128xf32, #tpu.memory_space<vmem>>
        %dma_start3A_345 = arith.constant 0 : i32
        %dma_start3A_346 = tpu.memref_slice %arg6[%select_n3A_127, %add3A_326, %dma_start3A_345] : memref<2x40x50xi32, #tpu.memory_space<vmem>> -> memref<1x1x50xi32, #tpu.memory_space<vmem>>
        %dma_start3A_347 = tpu.memref_squeeze %dma_start3A_346 : memref<1x1x50xi32, #tpu.memory_space<vmem>> -> memref<50xi32, #tpu.memory_space<vmem>>
        %dma_start3A_348 = arith.constant 0 : i32
        %dma_start3A_349 = arith.constant 0 : i32
        %dma_start3A_350 = tpu.memref_slice %arg2[%dma_start3A_348, %dma_start3A_349] : memref<10000x128xf32, #tpu.memory_space<hbm>> -> memref<10000x128xf32, #tpu.memory_space<hbm>>
        tpu.enqueue_indirect_dma source(%dma_start3A_350 : memref<10000x128xf32, #tpu.memory_space<hbm>>) target(%dma_start3A_344 : memref<50x128xf32, #tpu.memory_space<vmem>>) offsets(%dma_start3A_347 : memref<50xi32, #tpu.memory_space<vmem>>) semaphore(%arg12 : memref<!tpu.dma_semaphore, #tpu.memory_space<semaphore_mem>>)
        %dma_wait3A_351 = arith.constant 0 : i32
        %dma_wait3A_352 = arith.constant 0 : i32
        %dma_wait3A_353 = arith.constant 3 : i32
        %dma_wait3A_354 = arith.constant 0 : i32
        %dma_wait3A_355 = arith.constant 0 : i32
        %dma_wait3A_356 = tpu.memref_slice %arg8[%dma_wait3A_353, %dma_wait3A_354, %dma_wait3A_355] : memref<4x50x128xf32, #tpu.memory_space<vmem>> -> memref<1x50x128xf32, #tpu.memory_space<vmem>>
        %dma_wait3A_357 = tpu.memref_squeeze %dma_wait3A_356 : memref<1x50x128xf32, #tpu.memory_space<vmem>> -> memref<50x128xf32, #tpu.memory_space<vmem>>
        %dma_wait3A_358 = arith.constant 0 : i32
        %dma_wait3A_359 = tpu.memref_slice %arg6[%dma_wait3A_351, %dma_wait3A_352, %dma_wait3A_358] : memref<2x40x50xi32, #tpu.memory_space<vmem>> -> memref<1x1x50xi32, #tpu.memory_space<vmem>>
        %dma_wait3A_360 = tpu.memref_squeeze %dma_wait3A_359 : memref<1x1x50xi32, #tpu.memory_space<vmem>> -> memref<50xi32, #tpu.memory_space<vmem>>
        %dma_wait3A_361 = arith.constant 0 : i32
        %dma_wait3A_362 = arith.constant 0 : i32
        %dma_wait3A_363 = tpu.memref_slice %arg2[%dma_wait3A_361, %dma_wait3A_362] : memref<10000x128xf32, #tpu.memory_space<hbm>> -> memref<10000x128xf32, #tpu.memory_space<hbm>>
        tpu.wait_indirect_dma semaphore(%arg13 : memref<!tpu.dma_semaphore, #tpu.memory_space<semaphore_mem>>) src(%dma_wait3A_363 : memref<10000x128xf32, #tpu.memory_space<hbm>>) dst(%dma_wait3A_357 : memref<50x128xf32, #tpu.memory_space<vmem>>)
        %dma_start3A_364 = arith.constant 3 : i32
        %dma_start3A_365 = arith.constant 0 : i32
        %dma_start3A_366 = arith.constant 0 : i32
        %dma_start3A_367 = tpu.memref_slice %arg8[%dma_start3A_364, %dma_start3A_365, %dma_start3A_366] : memref<4x50x128xf32, #tpu.memory_space<vmem>> -> memref<1x50x128xf32, #tpu.memory_space<vmem>>
        %dma_start3A_368 = tpu.memref_squeeze %dma_start3A_367 : memref<1x50x128xf32, #tpu.memory_space<vmem>> -> memref<50x128xf32, #tpu.memory_space<vmem>>
        %dma_start3A_369 = arith.constant 0 : i32
        %dma_start3A_370 = tpu.memref_slice %arg7[%select_n3A_127, %add3A_324, %dma_start3A_369] : memref<2x40x50xi32, #tpu.memory_space<vmem>> -> memref<1x1x50xi32, #tpu.memory_space<vmem>>
        %dma_start3A_371 = tpu.memref_squeeze %dma_start3A_370 : memref<1x1x50xi32, #tpu.memory_space<vmem>> -> memref<50xi32, #tpu.memory_space<vmem>>
        %dma_start3A_372 = arith.constant 0 : i32
        %dma_start3A_373 = arith.constant 0 : i32
        %dma_start3A_374 = tpu.memref_slice %arg9[%dma_start3A_372, %dma_start3A_373] : memref<10000x128xf32, #tpu.memory_space<vmem_shared>> -> memref<10000x128xf32, #tpu.memory_space<vmem_shared>>
        tpu.enqueue_indirect_dma source(%dma_start3A_368 : memref<50x128xf32, #tpu.memory_space<vmem>>) target(%dma_start3A_374 : memref<10000x128xf32, #tpu.memory_space<vmem_shared>>) offsets(%dma_start3A_371 : memref<50xi32, #tpu.memory_space<vmem>>) semaphore(%arg17 : memref<!tpu.dma_semaphore, #tpu.memory_space<semaphore_mem>>) {add = true}
        %mul3A_375 = arith.constant 8 : i32
        %mul3A_376 = arith.muli %scan3A_154, %mul3A_375 : i32
        %add3A_377 = arith.constant 4 : i32
        %add3A_378 = arith.addi %mul3A_376, %add3A_377 : i32
        %add3A_379 = arith.constant 3 : i32
        %add3A_380 = arith.addi %add3A_378, %add3A_379 : i32
        %dma_wait3A_381 = arith.constant 3 : i32
        %dma_wait3A_382 = arith.constant 0 : i32
        %dma_wait3A_383 = arith.constant 0 : i32
        %dma_wait3A_384 = arith.constant 0 : i32
        %dma_wait3A_385 = arith.constant 0 : i32
        %dma_wait3A_386 = tpu.memref_slice %arg8[%dma_wait3A_381, %dma_wait3A_384, %dma_wait3A_385] : memref<4x50x128xf32, #tpu.memory_space<vmem>> -> memref<1x50x128xf32, #tpu.memory_space<vmem>>
        %dma_wait3A_387 = tpu.memref_squeeze %dma_wait3A_386 : memref<1x50x128xf32, #tpu.memory_space<vmem>> -> memref<50x128xf32, #tpu.memory_space<vmem>>
        %dma_wait3A_388 = arith.constant 0 : i32
        %dma_wait3A_389 = tpu.memref_slice %arg7[%dma_wait3A_382, %dma_wait3A_383, %dma_wait3A_388] : memref<2x40x50xi32, #tpu.memory_space<vmem>> -> memref<1x1x50xi32, #tpu.memory_space<vmem>>
        %dma_wait3A_390 = tpu.memref_squeeze %dma_wait3A_389 : memref<1x1x50xi32, #tpu.memory_space<vmem>> -> memref<50xi32, #tpu.memory_space<vmem>>
        %dma_wait3A_391 = arith.constant 0 : i32
        %dma_wait3A_392 = arith.constant 0 : i32
        %dma_wait3A_393 = tpu.memref_slice %arg9[%dma_wait3A_391, %dma_wait3A_392] : memref<10000x128xf32, #tpu.memory_space<vmem_shared>> -> memref<10000x128xf32, #tpu.memory_space<vmem_shared>>
        tpu.wait_indirect_dma semaphore(%arg17 : memref<!tpu.dma_semaphore, #tpu.memory_space<semaphore_mem>>) src(%dma_wait3A_387 : memref<50x128xf32, #tpu.memory_space<vmem>>) dst(%dma_wait3A_393 : memref<10000x128xf32, #tpu.memory_space<vmem_shared>>)
        %dma_start3A_394 = arith.constant 3 : i32
        %dma_start3A_395 = arith.constant 0 : i32
        %dma_start3A_396 = arith.constant 0 : i32
        %dma_start3A_397 = tpu.memref_slice %arg8[%dma_start3A_394, %dma_start3A_395, %dma_start3A_396] : memref<4x50x128xf32, #tpu.memory_space<vmem>> -> memref<1x50x128xf32, #tpu.memory_space<vmem>>
        %dma_start3A_398 = tpu.memref_squeeze %dma_start3A_397 : memref<1x50x128xf32, #tpu.memory_space<vmem>> -> memref<50x128xf32, #tpu.memory_space<vmem>>
        %dma_start3A_399 = arith.constant 0 : i32
        %dma_start3A_400 = tpu.memref_slice %arg6[%select_n3A_127, %add3A_380, %dma_start3A_399] : memref<2x40x50xi32, #tpu.memory_space<vmem>> -> memref<1x1x50xi32, #tpu.memory_space<vmem>>
        %dma_start3A_401 = tpu.memref_squeeze %dma_start3A_400 : memref<1x1x50xi32, #tpu.memory_space<vmem>> -> memref<50xi32, #tpu.memory_space<vmem>>
        %dma_start3A_402 = arith.constant 0 : i32
        %dma_start3A_403 = arith.constant 0 : i32
        %dma_start3A_404 = tpu.memref_slice %arg2[%dma_start3A_402, %dma_start3A_403] : memref<10000x128xf32, #tpu.memory_space<hbm>> -> memref<10000x128xf32, #tpu.memory_space<hbm>>
        tpu.enqueue_indirect_dma source(%dma_start3A_404 : memref<10000x128xf32, #tpu.memory_space<hbm>>) target(%dma_start3A_398 : memref<50x128xf32, #tpu.memory_space<vmem>>) offsets(%dma_start3A_401 : memref<50xi32, #tpu.memory_space<vmem>>) semaphore(%arg13 : memref<!tpu.dma_semaphore, #tpu.memory_space<semaphore_mem>>)
        %dma_wait3A_405 = arith.constant 0 : i32
        %dma_wait3A_406 = arith.constant 0 : i32
        %dma_wait3A_407 = arith.constant 0 : i32
        %dma_wait3A_408 = arith.constant 0 : i32
        %dma_wait3A_409 = arith.constant 0 : i32
        %dma_wait3A_410 = tpu.memref_slice %arg8[%dma_wait3A_407, %dma_wait3A_408, %dma_wait3A_409] : memref<4x50x128xf32, #tpu.memory_space<vmem>> -> memref<1x50x128xf32, #tpu.memory_space<vmem>>
        %dma_wait3A_411 = tpu.memref_squeeze %dma_wait3A_410 : memref<1x50x128xf32, #tpu.memory_space<vmem>> -> memref<50x128xf32, #tpu.memory_space<vmem>>
        %dma_wait3A_412 = arith.constant 0 : i32
        %dma_wait3A_413 = tpu.memref_slice %arg6[%dma_wait3A_405, %dma_wait3A_406, %dma_wait3A_412] : memref<2x40x50xi32, #tpu.memory_space<vmem>> -> memref<1x1x50xi32, #tpu.memory_space<vmem>>
        %dma_wait3A_414 = tpu.memref_squeeze %dma_wait3A_413 : memref<1x1x50xi32, #tpu.memory_space<vmem>> -> memref<50xi32, #tpu.memory_space<vmem>>
        %dma_wait3A_415 = arith.constant 0 : i32
        %dma_wait3A_416 = arith.constant 0 : i32
        %dma_wait3A_417 = tpu.memref_slice %arg2[%dma_wait3A_415, %dma_wait3A_416] : memref<10000x128xf32, #tpu.memory_space<hbm>> -> memref<10000x128xf32, #tpu.memory_space<hbm>>
        tpu.wait_indirect_dma semaphore(%arg10 : memref<!tpu.dma_semaphore, #tpu.memory_space<semaphore_mem>>) src(%dma_wait3A_417 : memref<10000x128xf32, #tpu.memory_space<hbm>>) dst(%dma_wait3A_411 : memref<50x128xf32, #tpu.memory_space<vmem>>)
        %dma_start3A_418 = arith.constant 0 : i32
        %dma_start3A_419 = arith.constant 0 : i32
        %dma_start3A_420 = arith.constant 0 : i32
        %dma_start3A_421 = tpu.memref_slice %arg8[%dma_start3A_418, %dma_start3A_419, %dma_start3A_420] : memref<4x50x128xf32, #tpu.memory_space<vmem>> -> memref<1x50x128xf32, #tpu.memory_space<vmem>>
        %dma_start3A_422 = tpu.memref_squeeze %dma_start3A_421 : memref<1x50x128xf32, #tpu.memory_space<vmem>> -> memref<50x128xf32, #tpu.memory_space<vmem>>
        %dma_start3A_423 = arith.constant 0 : i32
        %dma_start3A_424 = tpu.memref_slice %arg7[%select_n3A_127, %add3A_378, %dma_start3A_423] : memref<2x40x50xi32, #tpu.memory_space<vmem>> -> memref<1x1x50xi32, #tpu.memory_space<vmem>>
        %dma_start3A_425 = tpu.memref_squeeze %dma_start3A_424 : memref<1x1x50xi32, #tpu.memory_space<vmem>> -> memref<50xi32, #tpu.memory_space<vmem>>
        %dma_start3A_426 = arith.constant 0 : i32
        %dma_start3A_427 = arith.constant 0 : i32
        %dma_start3A_428 = tpu.memref_slice %arg9[%dma_start3A_426, %dma_start3A_427] : memref<10000x128xf32, #tpu.memory_space<vmem_shared>> -> memref<10000x128xf32, #tpu.memory_space<vmem_shared>>
        tpu.enqueue_indirect_dma source(%dma_start3A_422 : memref<50x128xf32, #tpu.memory_space<vmem>>) target(%dma_start3A_428 : memref<10000x128xf32, #tpu.memory_space<vmem_shared>>) offsets(%dma_start3A_425 : memref<50xi32, #tpu.memory_space<vmem>>) semaphore(%arg14 : memref<!tpu.dma_semaphore, #tpu.memory_space<semaphore_mem>>) {add = true}
        %mul3A_429 = arith.constant 8 : i32
        %mul3A_430 = arith.muli %scan3A_154, %mul3A_429 : i32
        %add3A_431 = arith.constant 5 : i32
        %add3A_432 = arith.addi %mul3A_430, %add3A_431 : i32
        %add3A_433 = arith.constant 3 : i32
        %add3A_434 = arith.addi %add3A_432, %add3A_433 : i32
        %dma_wait3A_435 = arith.constant 0 : i32
        %dma_wait3A_436 = arith.constant 0 : i32
        %dma_wait3A_437 = arith.constant 0 : i32
        %dma_wait3A_438 = arith.constant 0 : i32
        %dma_wait3A_439 = arith.constant 0 : i32
        %dma_wait3A_440 = tpu.memref_slice %arg8[%dma_wait3A_435, %dma_wait3A_438, %dma_wait3A_439] : memref<4x50x128xf32, #tpu.memory_space<vmem>> -> memref<1x50x128xf32, #tpu.memory_space<vmem>>
        %dma_wait3A_441 = tpu.memref_squeeze %dma_wait3A_440 : memref<1x50x128xf32, #tpu.memory_space<vmem>> -> memref<50x128xf32, #tpu.memory_space<vmem>>
        %dma_wait3A_442 = arith.constant 0 : i32
        %dma_wait3A_443 = tpu.memref_slice %arg7[%dma_wait3A_436, %dma_wait3A_437, %dma_wait3A_442] : memref<2x40x50xi32, #tpu.memory_space<vmem>> -> memref<1x1x50xi32, #tpu.memory_space<vmem>>
        %dma_wait3A_444 = tpu.memref_squeeze %dma_wait3A_443 : memref<1x1x50xi32, #tpu.memory_space<vmem>> -> memref<50xi32, #tpu.memory_space<vmem>>
        %dma_wait3A_445 = arith.constant 0 : i32
        %dma_wait3A_446 = arith.constant 0 : i32
        %dma_wait3A_447 = tpu.memref_slice %arg9[%dma_wait3A_445, %dma_wait3A_446] : memref<10000x128xf32, #tpu.memory_space<vmem_shared>> -> memref<10000x128xf32, #tpu.memory_space<vmem_shared>>
        tpu.wait_indirect_dma semaphore(%arg14 : memref<!tpu.dma_semaphore, #tpu.memory_space<semaphore_mem>>) src(%dma_wait3A_441 : memref<50x128xf32, #tpu.memory_space<vmem>>) dst(%dma_wait3A_447 : memref<10000x128xf32, #tpu.memory_space<vmem_shared>>)
        %lt3A_448 = arith.constant 40 : i32
        %lt3A_449 = arith.cmpi slt, %add3A_434, %lt3A_448 : i32
        %convert_element_type3A_450 = arith.extui %lt3A_449 : i1 to i32
        %cond3A_451 = arith.constant 0 : i32
        %cond3A_452 = arith.cmpi ne, %convert_element_type3A_450, %cond3A_451 : i32
        scf.if %cond3A_452 {
          %dma_start3A_603 = arith.constant 0 : i32
          %dma_start3A_604 = arith.constant 0 : i32
          %dma_start3A_605 = arith.constant 0 : i32
          %dma_start3A_606 = tpu.memref_slice %arg8[%dma_start3A_603, %dma_start3A_604, %dma_start3A_605] : memref<4x50x128xf32, #tpu.memory_space<vmem>> -> memref<1x50x128xf32, #tpu.memory_space<vmem>>
          %dma_start3A_607 = tpu.memref_squeeze %dma_start3A_606 : memref<1x50x128xf32, #tpu.memory_space<vmem>> -> memref<50x128xf32, #tpu.memory_space<vmem>>
          %dma_start3A_608 = arith.constant 0 : i32
          %dma_start3A_609 = tpu.memref_slice %arg6[%select_n3A_127, %add3A_434, %dma_start3A_608] : memref<2x40x50xi32, #tpu.memory_space<vmem>> -> memref<1x1x50xi32, #tpu.memory_space<vmem>>
          %dma_start3A_610 = tpu.memref_squeeze %dma_start3A_609 : memref<1x1x50xi32, #tpu.memory_space<vmem>> -> memref<50xi32, #tpu.memory_space<vmem>>
          %dma_start3A_611 = arith.constant 0 : i32
          %dma_start3A_612 = arith.constant 0 : i32
          %dma_start3A_613 = tpu.memref_slice %arg2[%dma_start3A_611, %dma_start3A_612] : memref<10000x128xf32, #tpu.memory_space<hbm>> -> memref<10000x128xf32, #tpu.memory_space<hbm>>
          tpu.enqueue_indirect_dma source(%dma_start3A_613 : memref<10000x128xf32, #tpu.memory_space<hbm>>) target(%dma_start3A_607 : memref<50x128xf32, #tpu.memory_space<vmem>>) offsets(%dma_start3A_610 : memref<50xi32, #tpu.memory_space<vmem>>) semaphore(%arg10 : memref<!tpu.dma_semaphore, #tpu.memory_space<semaphore_mem>>)
        } else {
        }
        %ge3A = arith.constant 40 : i32
        %ge3A_453 = arith.cmpi sge, %add3A_434, %ge3A : i32
        %add3A_454 = arith.constant 1 : i32
        %add3A_455 = arith.addi %scan3A_116, %add3A_454 : i32
        %lt3A_456 = arith.constant 5 : i32
        %lt3A_457 = arith.cmpi slt, %add3A_455, %lt3A_456 : i32
        %and3A_458 = arith.andi %ge3A_453, %lt3A_457 : i1
        %convert_element_type3A_459 = arith.extui %and3A_458 : i1 to i32
        %cond3A_460 = arith.constant 0 : i32
        %cond3A_461 = arith.cmpi ne, %convert_element_type3A_459, %cond3A_460 : i32
        scf.if %cond3A_461 {
          %dma_wait3A_603 = arith.constant 0 : i32
          %dma_wait3A_604 = arith.constant 0 : i32
          %dma_wait3A_605 = arith.constant 0 : i32
          %dma_wait3A_606 = tpu.memref_slice %arg6[%select_n3A_145, %dma_wait3A_604, %dma_wait3A_605] : memref<2x40x50xi32, #tpu.memory_space<vmem>> -> memref<1x40x50xi32, #tpu.memory_space<vmem>>
          %dma_wait3A_607 = tpu.memref_squeeze %dma_wait3A_606 : memref<1x40x50xi32, #tpu.memory_space<vmem>> -> memref<40x50xi32, #tpu.memory_space<vmem>>
          %dma_wait3A_608 = arith.constant 0 : i32
          %dma_wait3A_609 = tpu.memref_slice %arg3[%dma_wait3A_603, %mul3A_27, %dma_wait3A_608] : memref<2x6400x50xi32, #tpu.memory_space<hbm>> -> memref<1x40x50xi32, #tpu.memory_space<hbm>>
          %dma_wait3A_610 = tpu.memref_squeeze %dma_wait3A_609 : memref<1x40x50xi32, #tpu.memory_space<hbm>> -> memref<40x50xi32, #tpu.memory_space<hbm>>
          %dma_wait3A_611 = arith.constant 0 : i32
          %dma_wait3A_612 = arith.constant 0 : i32
          %dma_wait3A_613 = tpu.memref_slice %arg6[%select_n3A_145, %dma_wait3A_611, %dma_wait3A_612] : memref<2x40x50xi32, #tpu.memory_space<vmem>> -> memref<1x40x50xi32, #tpu.memory_space<vmem>>
          %dma_wait3A_614 = tpu.memref_squeeze %dma_wait3A_613 : memref<1x40x50xi32, #tpu.memory_space<vmem>> -> memref<40x50xi32, #tpu.memory_space<vmem>>
          %dma_wait3A_615 = arith.constant 0 : i32
          %dma_wait3A_616 = tpu.memref_slice %arg3[%dma_wait3A_603, %mul3A_27, %dma_wait3A_615] : memref<2x6400x50xi32, #tpu.memory_space<hbm>> -> memref<1x40x50xi32, #tpu.memory_space<hbm>>
          %dma_wait3A_617 = tpu.memref_squeeze %dma_wait3A_616 : memref<1x40x50xi32, #tpu.memory_space<hbm>> -> memref<40x50xi32, #tpu.memory_space<hbm>>
          tpu.wait_dma2 semaphore(%arg18 : memref<!tpu.dma_semaphore, #tpu.memory_space<semaphore_mem>>) src(%dma_wait3A_617 : memref<40x50xi32, #tpu.memory_space<hbm>>) dst(%dma_wait3A_614 : memref<40x50xi32, #tpu.memory_space<vmem>>)
          %dma_wait3A_618 = arith.constant 1 : i32
          %dma_wait3A_619 = arith.constant 0 : i32
          %dma_wait3A_620 = arith.constant 0 : i32
          %dma_wait3A_621 = tpu.memref_slice %arg7[%select_n3A_145, %dma_wait3A_619, %dma_wait3A_620] : memref<2x40x50xi32, #tpu.memory_space<vmem>> -> memref<1x40x50xi32, #tpu.memory_space<vmem>>
          %dma_wait3A_622 = tpu.memref_squeeze %dma_wait3A_621 : memref<1x40x50xi32, #tpu.memory_space<vmem>> -> memref<40x50xi32, #tpu.memory_space<vmem>>
          %dma_wait3A_623 = arith.constant 0 : i32
          %dma_wait3A_624 = tpu.memref_slice %arg3[%dma_wait3A_618, %mul3A_27, %dma_wait3A_623] : memref<2x6400x50xi32, #tpu.memory_space<hbm>> -> memref<1x40x50xi32, #tpu.memory_space<hbm>>
          %dma_wait3A_625 = tpu.memref_squeeze %dma_wait3A_624 : memref<1x40x50xi32, #tpu.memory_space<hbm>> -> memref<40x50xi32, #tpu.memory_space<hbm>>
          %dma_wait3A_626 = arith.constant 0 : i32
          %dma_wait3A_627 = arith.constant 0 : i32
          %dma_wait3A_628 = tpu.memref_slice %arg7[%select_n3A_145, %dma_wait3A_626, %dma_wait3A_627] : memref<2x40x50xi32, #tpu.memory_space<vmem>> -> memref<1x40x50xi32, #tpu.memory_space<vmem>>
          %dma_wait3A_629 = tpu.memref_squeeze %dma_wait3A_628 : memref<1x40x50xi32, #tpu.memory_space<vmem>> -> memref<40x50xi32, #tpu.memory_space<vmem>>
          %dma_wait3A_630 = arith.constant 0 : i32
          %dma_wait3A_631 = tpu.memref_slice %arg3[%dma_wait3A_618, %mul3A_27, %dma_wait3A_630] : memref<2x6400x50xi32, #tpu.memory_space<hbm>> -> memref<1x40x50xi32, #tpu.memory_space<hbm>>
          %dma_wait3A_632 = tpu.memref_squeeze %dma_wait3A_631 : memref<1x40x50xi32, #tpu.memory_space<hbm>> -> memref<40x50xi32, #tpu.memory_space<hbm>>
          tpu.wait_dma2 semaphore(%arg19 : memref<!tpu.dma_semaphore, #tpu.memory_space<semaphore_mem>>) src(%dma_wait3A_632 : memref<40x50xi32, #tpu.memory_space<hbm>>) dst(%dma_wait3A_629 : memref<40x50xi32, #tpu.memory_space<vmem>>)
          %sub3A = arith.constant 40 : i32
          %sub3A_633 = arith.subi %add3A_434, %sub3A : i32
          %dma_start3A_634 = arith.constant 0 : i32
          %dma_start3A_635 = arith.constant 0 : i32
          %dma_start3A_636 = arith.constant 0 : i32
          %dma_start3A_637 = tpu.memref_slice %arg8[%dma_start3A_634, %dma_start3A_635, %dma_start3A_636] : memref<4x50x128xf32, #tpu.memory_space<vmem>> -> memref<1x50x128xf32, #tpu.memory_space<vmem>>
          %dma_start3A_638 = tpu.memref_squeeze %dma_start3A_637 : memref<1x50x128xf32, #tpu.memory_space<vmem>> -> memref<50x128xf32, #tpu.memory_space<vmem>>
          %dma_start3A_639 = arith.constant 0 : i32
          %dma_start3A_640 = tpu.memref_slice %arg6[%select_n3A_145, %sub3A_633, %dma_start3A_639] : memref<2x40x50xi32, #tpu.memory_space<vmem>> -> memref<1x1x50xi32, #tpu.memory_space<vmem>>
          %dma_start3A_641 = tpu.memref_squeeze %dma_start3A_640 : memref<1x1x50xi32, #tpu.memory_space<vmem>> -> memref<50xi32, #tpu.memory_space<vmem>>
          %dma_start3A_642 = arith.constant 0 : i32
          %dma_start3A_643 = arith.constant 0 : i32
          %dma_start3A_644 = tpu.memref_slice %arg2[%dma_start3A_642, %dma_start3A_643] : memref<10000x128xf32, #tpu.memory_space<hbm>> -> memref<10000x128xf32, #tpu.memory_space<hbm>>
          tpu.enqueue_indirect_dma source(%dma_start3A_644 : memref<10000x128xf32, #tpu.memory_space<hbm>>) target(%dma_start3A_638 : memref<50x128xf32, #tpu.memory_space<vmem>>) offsets(%dma_start3A_641 : memref<50xi32, #tpu.memory_space<vmem>>) semaphore(%arg10 : memref<!tpu.dma_semaphore, #tpu.memory_space<semaphore_mem>>)
        } else {
        }
        %dma_wait3A_462 = arith.constant 0 : i32
        %dma_wait3A_463 = arith.constant 0 : i32
        %dma_wait3A_464 = arith.constant 1 : i32
        %dma_wait3A_465 = arith.constant 0 : i32
        %dma_wait3A_466 = arith.constant 0 : i32
        %dma_wait3A_467 = tpu.memref_slice %arg8[%dma_wait3A_464, %dma_wait3A_465, %dma_wait3A_466] : memref<4x50x128xf32, #tpu.memory_space<vmem>> -> memref<1x50x128xf32, #tpu.memory_space<vmem>>
        %dma_wait3A_468 = tpu.memref_squeeze %dma_wait3A_467 : memref<1x50x128xf32, #tpu.memory_space<vmem>> -> memref<50x128xf32, #tpu.memory_space<vmem>>
        %dma_wait3A_469 = arith.constant 0 : i32
        %dma_wait3A_470 = tpu.memref_slice %arg6[%dma_wait3A_462, %dma_wait3A_463, %dma_wait3A_469] : memref<2x40x50xi32, #tpu.memory_space<vmem>> -> memref<1x1x50xi32, #tpu.memory_space<vmem>>
        %dma_wait3A_471 = tpu.memref_squeeze %dma_wait3A_470 : memref<1x1x50xi32, #tpu.memory_space<vmem>> -> memref<50xi32, #tpu.memory_space<vmem>>
        %dma_wait3A_472 = arith.constant 0 : i32
        %dma_wait3A_473 = arith.constant 0 : i32
        %dma_wait3A_474 = tpu.memref_slice %arg2[%dma_wait3A_472, %dma_wait3A_473] : memref<10000x128xf32, #tpu.memory_space<hbm>> -> memref<10000x128xf32, #tpu.memory_space<hbm>>
        tpu.wait_indirect_dma semaphore(%arg11 : memref<!tpu.dma_semaphore, #tpu.memory_space<semaphore_mem>>) src(%dma_wait3A_474 : memref<10000x128xf32, #tpu.memory_space<hbm>>) dst(%dma_wait3A_468 : memref<50x128xf32, #tpu.memory_space<vmem>>)
        %dma_start3A_475 = arith.constant 1 : i32
        %dma_start3A_476 = arith.constant 0 : i32
        %dma_start3A_477 = arith.constant 0 : i32
        %dma_start3A_478 = tpu.memref_slice %arg8[%dma_start3A_475, %dma_start3A_476, %dma_start3A_477] : memref<4x50x128xf32, #tpu.memory_space<vmem>> -> memref<1x50x128xf32, #tpu.memory_space<vmem>>
        %dma_start3A_479 = tpu.memref_squeeze %dma_start3A_478 : memref<1x50x128xf32, #tpu.memory_space<vmem>> -> memref<50x128xf32, #tpu.memory_space<vmem>>
        %dma_start3A_480 = arith.constant 0 : i32
        %dma_start3A_481 = tpu.memref_slice %arg7[%select_n3A_127, %add3A_432, %dma_start3A_480] : memref<2x40x50xi32, #tpu.memory_space<vmem>> -> memref<1x1x50xi32, #tpu.memory_space<vmem>>
        %dma_start3A_482 = tpu.memref_squeeze %dma_start3A_481 : memref<1x1x50xi32, #tpu.memory_space<vmem>> -> memref<50xi32, #tpu.memory_space<vmem>>
        %dma_start3A_483 = arith.constant 0 : i32
        %dma_start3A_484 = arith.constant 0 : i32
        %dma_start3A_485 = tpu.memref_slice %arg9[%dma_start3A_483, %dma_start3A_484] : memref<10000x128xf32, #tpu.memory_space<vmem_shared>> -> memref<10000x128xf32, #tpu.memory_space<vmem_shared>>
        tpu.enqueue_indirect_dma source(%dma_start3A_479 : memref<50x128xf32, #tpu.memory_space<vmem>>) target(%dma_start3A_485 : memref<10000x128xf32, #tpu.memory_space<vmem_shared>>) offsets(%dma_start3A_482 : memref<50xi32, #tpu.memory_space<vmem>>) semaphore(%arg15 : memref<!tpu.dma_semaphore, #tpu.memory_space<semaphore_mem>>) {add = true}
        %mul3A_486 = arith.constant 8 : i32
        %mul3A_487 = arith.muli %scan3A_154, %mul3A_486 : i32
        %add3A_488 = arith.constant 6 : i32
        %add3A_489 = arith.addi %mul3A_487, %add3A_488 : i32
        %add3A_490 = arith.constant 3 : i32
        %add3A_491 = arith.addi %add3A_489, %add3A_490 : i32
        %dma_wait3A_492 = arith.constant 1 : i32
        %dma_wait3A_493 = arith.constant 0 : i32
        %dma_wait3A_494 = arith.constant 0 : i32
        %dma_wait3A_495 = arith.constant 0 : i32
        %dma_wait3A_496 = arith.constant 0 : i32
        %dma_wait3A_497 = tpu.memref_slice %arg8[%dma_wait3A_492, %dma_wait3A_495, %dma_wait3A_496] : memref<4x50x128xf32, #tpu.memory_space<vmem>> -> memref<1x50x128xf32, #tpu.memory_space<vmem>>
        %dma_wait3A_498 = tpu.memref_squeeze %dma_wait3A_497 : memref<1x50x128xf32, #tpu.memory_space<vmem>> -> memref<50x128xf32, #tpu.memory_space<vmem>>
        %dma_wait3A_499 = arith.constant 0 : i32
        %dma_wait3A_500 = tpu.memref_slice %arg7[%dma_wait3A_493, %dma_wait3A_494, %dma_wait3A_499] : memref<2x40x50xi32, #tpu.memory_space<vmem>> -> memref<1x1x50xi32, #tpu.memory_space<vmem>>
        %dma_wait3A_501 = tpu.memref_squeeze %dma_wait3A_500 : memref<1x1x50xi32, #tpu.memory_space<vmem>> -> memref<50xi32, #tpu.memory_space<vmem>>
        %dma_wait3A_502 = arith.constant 0 : i32
        %dma_wait3A_503 = arith.constant 0 : i32
        %dma_wait3A_504 = tpu.memref_slice %arg9[%dma_wait3A_502, %dma_wait3A_503] : memref<10000x128xf32, #tpu.memory_space<vmem_shared>> -> memref<10000x128xf32, #tpu.memory_space<vmem_shared>>
        tpu.wait_indirect_dma semaphore(%arg15 : memref<!tpu.dma_semaphore, #tpu.memory_space<semaphore_mem>>) src(%dma_wait3A_498 : memref<50x128xf32, #tpu.memory_space<vmem>>) dst(%dma_wait3A_504 : memref<10000x128xf32, #tpu.memory_space<vmem_shared>>)
        %lt3A_505 = arith.constant 40 : i32
        %lt3A_506 = arith.cmpi slt, %add3A_491, %lt3A_505 : i32
        %convert_element_type3A_507 = arith.extui %lt3A_506 : i1 to i32
        %cond3A_508 = arith.constant 0 : i32
        %cond3A_509 = arith.cmpi ne, %convert_element_type3A_507, %cond3A_508 : i32
        scf.if %cond3A_509 {
          %dma_start3A_603 = arith.constant 1 : i32
          %dma_start3A_604 = arith.constant 0 : i32
          %dma_start3A_605 = arith.constant 0 : i32
          %dma_start3A_606 = tpu.memref_slice %arg8[%dma_start3A_603, %dma_start3A_604, %dma_start3A_605] : memref<4x50x128xf32, #tpu.memory_space<vmem>> -> memref<1x50x128xf32, #tpu.memory_space<vmem>>
          %dma_start3A_607 = tpu.memref_squeeze %dma_start3A_606 : memref<1x50x128xf32, #tpu.memory_space<vmem>> -> memref<50x128xf32, #tpu.memory_space<vmem>>
          %dma_start3A_608 = arith.constant 0 : i32
          %dma_start3A_609 = tpu.memref_slice %arg6[%select_n3A_127, %add3A_491, %dma_start3A_608] : memref<2x40x50xi32, #tpu.memory_space<vmem>> -> memref<1x1x50xi32, #tpu.memory_space<vmem>>
          %dma_start3A_610 = tpu.memref_squeeze %dma_start3A_609 : memref<1x1x50xi32, #tpu.memory_space<vmem>> -> memref<50xi32, #tpu.memory_space<vmem>>
          %dma_start3A_611 = arith.constant 0 : i32
          %dma_start3A_612 = arith.constant 0 : i32
          %dma_start3A_613 = tpu.memref_slice %arg2[%dma_start3A_611, %dma_start3A_612] : memref<10000x128xf32, #tpu.memory_space<hbm>> -> memref<10000x128xf32, #tpu.memory_space<hbm>>
          tpu.enqueue_indirect_dma source(%dma_start3A_613 : memref<10000x128xf32, #tpu.memory_space<hbm>>) target(%dma_start3A_607 : memref<50x128xf32, #tpu.memory_space<vmem>>) offsets(%dma_start3A_610 : memref<50xi32, #tpu.memory_space<vmem>>) semaphore(%arg11 : memref<!tpu.dma_semaphore, #tpu.memory_space<semaphore_mem>>)
        } else {
        }
        %ge3A_510 = arith.constant 40 : i32
        %ge3A_511 = arith.cmpi sge, %add3A_491, %ge3A_510 : i32
        %add3A_512 = arith.constant 1 : i32
        %add3A_513 = arith.addi %scan3A_116, %add3A_512 : i32
        %lt3A_514 = arith.constant 5 : i32
        %lt3A_515 = arith.cmpi slt, %add3A_513, %lt3A_514 : i32
        %and3A_516 = arith.andi %ge3A_511, %lt3A_515 : i1
        %convert_element_type3A_517 = arith.extui %and3A_516 : i1 to i32
        %cond3A_518 = arith.constant 0 : i32
        %cond3A_519 = arith.cmpi ne, %convert_element_type3A_517, %cond3A_518 : i32
        scf.if %cond3A_519 {
          %sub3A = arith.constant 40 : i32
          %sub3A_603 = arith.subi %add3A_491, %sub3A : i32
          %dma_start3A_604 = arith.constant 1 : i32
          %dma_start3A_605 = arith.constant 0 : i32
          %dma_start3A_606 = arith.constant 0 : i32
          %dma_start3A_607 = tpu.memref_slice %arg8[%dma_start3A_604, %dma_start3A_605, %dma_start3A_606] : memref<4x50x128xf32, #tpu.memory_space<vmem>> -> memref<1x50x128xf32, #tpu.memory_space<vmem>>
          %dma_start3A_608 = tpu.memref_squeeze %dma_start3A_607 : memref<1x50x128xf32, #tpu.memory_space<vmem>> -> memref<50x128xf32, #tpu.memory_space<vmem>>
          %dma_start3A_609 = arith.constant 0 : i32
          %dma_start3A_610 = tpu.memref_slice %arg6[%select_n3A_145, %sub3A_603, %dma_start3A_609] : memref<2x40x50xi32, #tpu.memory_space<vmem>> -> memref<1x1x50xi32, #tpu.memory_space<vmem>>
          %dma_start3A_611 = tpu.memref_squeeze %dma_start3A_610 : memref<1x1x50xi32, #tpu.memory_space<vmem>> -> memref<50xi32, #tpu.memory_space<vmem>>
          %dma_start3A_612 = arith.constant 0 : i32
          %dma_start3A_613 = arith.constant 0 : i32
          %dma_start3A_614 = tpu.memref_slice %arg2[%dma_start3A_612, %dma_start3A_613] : memref<10000x128xf32, #tpu.memory_space<hbm>> -> memref<10000x128xf32, #tpu.memory_space<hbm>>
          tpu.enqueue_indirect_dma source(%dma_start3A_614 : memref<10000x128xf32, #tpu.memory_space<hbm>>) target(%dma_start3A_608 : memref<50x128xf32, #tpu.memory_space<vmem>>) offsets(%dma_start3A_611 : memref<50xi32, #tpu.memory_space<vmem>>) semaphore(%arg11 : memref<!tpu.dma_semaphore, #tpu.memory_space<semaphore_mem>>)
        } else {
        }
        %dma_wait3A_520 = arith.constant 0 : i32
        %dma_wait3A_521 = arith.constant 0 : i32
        %dma_wait3A_522 = arith.constant 2 : i32
        %dma_wait3A_523 = arith.constant 0 : i32
        %dma_wait3A_524 = arith.constant 0 : i32
        %dma_wait3A_525 = tpu.memref_slice %arg8[%dma_wait3A_522, %dma_wait3A_523, %dma_wait3A_524] : memref<4x50x128xf32, #tpu.memory_space<vmem>> -> memref<1x50x128xf32, #tpu.memory_space<vmem>>
        %dma_wait3A_526 = tpu.memref_squeeze %dma_wait3A_525 : memref<1x50x128xf32, #tpu.memory_space<vmem>> -> memref<50x128xf32, #tpu.memory_space<vmem>>
        %dma_wait3A_527 = arith.constant 0 : i32
        %dma_wait3A_528 = tpu.memref_slice %arg6[%dma_wait3A_520, %dma_wait3A_521, %dma_wait3A_527] : memref<2x40x50xi32, #tpu.memory_space<vmem>> -> memref<1x1x50xi32, #tpu.memory_space<vmem>>
        %dma_wait3A_529 = tpu.memref_squeeze %dma_wait3A_528 : memref<1x1x50xi32, #tpu.memory_space<vmem>> -> memref<50xi32, #tpu.memory_space<vmem>>
        %dma_wait3A_530 = arith.constant 0 : i32
        %dma_wait3A_531 = arith.constant 0 : i32
        %dma_wait3A_532 = tpu.memref_slice %arg2[%dma_wait3A_530, %dma_wait3A_531] : memref<10000x128xf32, #tpu.memory_space<hbm>> -> memref<10000x128xf32, #tpu.memory_space<hbm>>
        tpu.wait_indirect_dma semaphore(%arg12 : memref<!tpu.dma_semaphore, #tpu.memory_space<semaphore_mem>>) src(%dma_wait3A_532 : memref<10000x128xf32, #tpu.memory_space<hbm>>) dst(%dma_wait3A_526 : memref<50x128xf32, #tpu.memory_space<vmem>>)
        %dma_start3A_533 = arith.constant 2 : i32
        %dma_start3A_534 = arith.constant 0 : i32
        %dma_start3A_535 = arith.constant 0 : i32
        %dma_start3A_536 = tpu.memref_slice %arg8[%dma_start3A_533, %dma_start3A_534, %dma_start3A_535] : memref<4x50x128xf32, #tpu.memory_space<vmem>> -> memref<1x50x128xf32, #tpu.memory_space<vmem>>
        %dma_start3A_537 = tpu.memref_squeeze %dma_start3A_536 : memref<1x50x128xf32, #tpu.memory_space<vmem>> -> memref<50x128xf32, #tpu.memory_space<vmem>>
        %dma_start3A_538 = arith.constant 0 : i32
        %dma_start3A_539 = tpu.memref_slice %arg7[%select_n3A_127, %add3A_489, %dma_start3A_538] : memref<2x40x50xi32, #tpu.memory_space<vmem>> -> memref<1x1x50xi32, #tpu.memory_space<vmem>>
        %dma_start3A_540 = tpu.memref_squeeze %dma_start3A_539 : memref<1x1x50xi32, #tpu.memory_space<vmem>> -> memref<50xi32, #tpu.memory_space<vmem>>
        %dma_start3A_541 = arith.constant 0 : i32
        %dma_start3A_542 = arith.constant 0 : i32
        %dma_start3A_543 = tpu.memref_slice %arg9[%dma_start3A_541, %dma_start3A_542] : memref<10000x128xf32, #tpu.memory_space<vmem_shared>> -> memref<10000x128xf32, #tpu.memory_space<vmem_shared>>
        tpu.enqueue_indirect_dma source(%dma_start3A_537 : memref<50x128xf32, #tpu.memory_space<vmem>>) target(%dma_start3A_543 : memref<10000x128xf32, #tpu.memory_space<vmem_shared>>) offsets(%dma_start3A_540 : memref<50xi32, #tpu.memory_space<vmem>>) semaphore(%arg16 : memref<!tpu.dma_semaphore, #tpu.memory_space<semaphore_mem>>) {add = true}
        %mul3A_544 = arith.constant 8 : i32
        %mul3A_545 = arith.muli %scan3A_154, %mul3A_544 : i32
        %add3A_546 = arith.constant 7 : i32
        %add3A_547 = arith.addi %mul3A_545, %add3A_546 : i32
        %add3A_548 = arith.constant 3 : i32
        %add3A_549 = arith.addi %add3A_547, %add3A_548 : i32
        %dma_wait3A_550 = arith.constant 2 : i32
        %dma_wait3A_551 = arith.constant 0 : i32
        %dma_wait3A_552 = arith.constant 0 : i32
        %dma_wait3A_553 = arith.constant 0 : i32
        %dma_wait3A_554 = arith.constant 0 : i32
        %dma_wait3A_555 = tpu.memref_slice %arg8[%dma_wait3A_550, %dma_wait3A_553, %dma_wait3A_554] : memref<4x50x128xf32, #tpu.memory_space<vmem>> -> memref<1x50x128xf32, #tpu.memory_space<vmem>>
        %dma_wait3A_556 = tpu.memref_squeeze %dma_wait3A_555 : memref<1x50x128xf32, #tpu.memory_space<vmem>> -> memref<50x128xf32, #tpu.memory_space<vmem>>
        %dma_wait3A_557 = arith.constant 0 : i32
        %dma_wait3A_558 = tpu.memref_slice %arg7[%dma_wait3A_551, %dma_wait3A_552, %dma_wait3A_557] : memref<2x40x50xi32, #tpu.memory_space<vmem>> -> memref<1x1x50xi32, #tpu.memory_space<vmem>>
        %dma_wait3A_559 = tpu.memref_squeeze %dma_wait3A_558 : memref<1x1x50xi32, #tpu.memory_space<vmem>> -> memref<50xi32, #tpu.memory_space<vmem>>
        %dma_wait3A_560 = arith.constant 0 : i32
        %dma_wait3A_561 = arith.constant 0 : i32
        %dma_wait3A_562 = tpu.memref_slice %arg9[%dma_wait3A_560, %dma_wait3A_561] : memref<10000x128xf32, #tpu.memory_space<vmem_shared>> -> memref<10000x128xf32, #tpu.memory_space<vmem_shared>>
        tpu.wait_indirect_dma semaphore(%arg16 : memref<!tpu.dma_semaphore, #tpu.memory_space<semaphore_mem>>) src(%dma_wait3A_556 : memref<50x128xf32, #tpu.memory_space<vmem>>) dst(%dma_wait3A_562 : memref<10000x128xf32, #tpu.memory_space<vmem_shared>>)
        %lt3A_563 = arith.constant 40 : i32
        %lt3A_564 = arith.cmpi slt, %add3A_549, %lt3A_563 : i32
        %convert_element_type3A_565 = arith.extui %lt3A_564 : i1 to i32
        %cond3A_566 = arith.constant 0 : i32
        %cond3A_567 = arith.cmpi ne, %convert_element_type3A_565, %cond3A_566 : i32
        scf.if %cond3A_567 {
          %dma_start3A_603 = arith.constant 2 : i32
          %dma_start3A_604 = arith.constant 0 : i32
          %dma_start3A_605 = arith.constant 0 : i32
          %dma_start3A_606 = tpu.memref_slice %arg8[%dma_start3A_603, %dma_start3A_604, %dma_start3A_605] : memref<4x50x128xf32, #tpu.memory_space<vmem>> -> memref<1x50x128xf32, #tpu.memory_space<vmem>>
          %dma_start3A_607 = tpu.memref_squeeze %dma_start3A_606 : memref<1x50x128xf32, #tpu.memory_space<vmem>> -> memref<50x128xf32, #tpu.memory_space<vmem>>
          %dma_start3A_608 = arith.constant 0 : i32
          %dma_start3A_609 = tpu.memref_slice %arg6[%select_n3A_127, %add3A_549, %dma_start3A_608] : memref<2x40x50xi32, #tpu.memory_space<vmem>> -> memref<1x1x50xi32, #tpu.memory_space<vmem>>
          %dma_start3A_610 = tpu.memref_squeeze %dma_start3A_609 : memref<1x1x50xi32, #tpu.memory_space<vmem>> -> memref<50xi32, #tpu.memory_space<vmem>>
          %dma_start3A_611 = arith.constant 0 : i32
          %dma_start3A_612 = arith.constant 0 : i32
          %dma_start3A_613 = tpu.memref_slice %arg2[%dma_start3A_611, %dma_start3A_612] : memref<10000x128xf32, #tpu.memory_space<hbm>> -> memref<10000x128xf32, #tpu.memory_space<hbm>>
          tpu.enqueue_indirect_dma source(%dma_start3A_613 : memref<10000x128xf32, #tpu.memory_space<hbm>>) target(%dma_start3A_607 : memref<50x128xf32, #tpu.memory_space<vmem>>) offsets(%dma_start3A_610 : memref<50xi32, #tpu.memory_space<vmem>>) semaphore(%arg12 : memref<!tpu.dma_semaphore, #tpu.memory_space<semaphore_mem>>)
        } else {
        }
        %ge3A_568 = arith.constant 40 : i32
        %ge3A_569 = arith.cmpi sge, %add3A_549, %ge3A_568 : i32
        %add3A_570 = arith.constant 1 : i32
        %add3A_571 = arith.addi %scan3A_116, %add3A_570 : i32
        %lt3A_572 = arith.constant 5 : i32
        %lt3A_573 = arith.cmpi slt, %add3A_571, %lt3A_572 : i32
        %and3A_574 = arith.andi %ge3A_569, %lt3A_573 : i1
        %convert_element_type3A_575 = arith.extui %and3A_574 : i1 to i32
        %cond3A_576 = arith.constant 0 : i32
        %cond3A_577 = arith.cmpi ne, %convert_element_type3A_575, %cond3A_576 : i32
        scf.if %cond3A_577 {
          %sub3A = arith.constant 40 : i32
          %sub3A_603 = arith.subi %add3A_549, %sub3A : i32
          %dma_start3A_604 = arith.constant 2 : i32
          %dma_start3A_605 = arith.constant 0 : i32
          %dma_start3A_606 = arith.constant 0 : i32
          %dma_start3A_607 = tpu.memref_slice %arg8[%dma_start3A_604, %dma_start3A_605, %dma_start3A_606] : memref<4x50x128xf32, #tpu.memory_space<vmem>> -> memref<1x50x128xf32, #tpu.memory_space<vmem>>
          %dma_start3A_608 = tpu.memref_squeeze %dma_start3A_607 : memref<1x50x128xf32, #tpu.memory_space<vmem>> -> memref<50x128xf32, #tpu.memory_space<vmem>>
          %dma_start3A_609 = arith.constant 0 : i32
          %dma_start3A_610 = tpu.memref_slice %arg6[%select_n3A_145, %sub3A_603, %dma_start3A_609] : memref<2x40x50xi32, #tpu.memory_space<vmem>> -> memref<1x1x50xi32, #tpu.memory_space<vmem>>
          %dma_start3A_611 = tpu.memref_squeeze %dma_start3A_610 : memref<1x1x50xi32, #tpu.memory_space<vmem>> -> memref<50xi32, #tpu.memory_space<vmem>>
          %dma_start3A_612 = arith.constant 0 : i32
          %dma_start3A_613 = arith.constant 0 : i32
          %dma_start3A_614 = tpu.memref_slice %arg2[%dma_start3A_612, %dma_start3A_613] : memref<10000x128xf32, #tpu.memory_space<hbm>> -> memref<10000x128xf32, #tpu.memory_space<hbm>>
          tpu.enqueue_indirect_dma source(%dma_start3A_614 : memref<10000x128xf32, #tpu.memory_space<hbm>>) target(%dma_start3A_608 : memref<50x128xf32, #tpu.memory_space<vmem>>) offsets(%dma_start3A_611 : memref<50xi32, #tpu.memory_space<vmem>>) semaphore(%arg12 : memref<!tpu.dma_semaphore, #tpu.memory_space<semaphore_mem>>)
        } else {
        }
        %dma_wait3A_578 = arith.constant 0 : i32
        %dma_wait3A_579 = arith.constant 0 : i32
        %dma_wait3A_580 = arith.constant 3 : i32
        %dma_wait3A_581 = arith.constant 0 : i32
        %dma_wait3A_582 = arith.constant 0 : i32
        %dma_wait3A_583 = tpu.memref_slice %arg8[%dma_wait3A_580, %dma_wait3A_581, %dma_wait3A_582] : memref<4x50x128xf32, #tpu.memory_space<vmem>> -> memref<1x50x128xf32, #tpu.memory_space<vmem>>
        %dma_wait3A_584 = tpu.memref_squeeze %dma_wait3A_583 : memref<1x50x128xf32, #tpu.memory_space<vmem>> -> memref<50x128xf32, #tpu.memory_space<vmem>>
        %dma_wait3A_585 = arith.constant 0 : i32
        %dma_wait3A_586 = tpu.memref_slice %arg6[%dma_wait3A_578, %dma_wait3A_579, %dma_wait3A_585] : memref<2x40x50xi32, #tpu.memory_space<vmem>> -> memref<1x1x50xi32, #tpu.memory_space<vmem>>
        %dma_wait3A_587 = tpu.memref_squeeze %dma_wait3A_586 : memref<1x1x50xi32, #tpu.memory_space<vmem>> -> memref<50xi32, #tpu.memory_space<vmem>>
        %dma_wait3A_588 = arith.constant 0 : i32
        %dma_wait3A_589 = arith.constant 0 : i32
        %dma_wait3A_590 = tpu.memref_slice %arg2[%dma_wait3A_588, %dma_wait3A_589] : memref<10000x128xf32, #tpu.memory_space<hbm>> -> memref<10000x128xf32, #tpu.memory_space<hbm>>
        tpu.wait_indirect_dma semaphore(%arg13 : memref<!tpu.dma_semaphore, #tpu.memory_space<semaphore_mem>>) src(%dma_wait3A_590 : memref<10000x128xf32, #tpu.memory_space<hbm>>) dst(%dma_wait3A_584 : memref<50x128xf32, #tpu.memory_space<vmem>>)
        %dma_start3A_591 = arith.constant 3 : i32
        %dma_start3A_592 = arith.constant 0 : i32
        %dma_start3A_593 = arith.constant 0 : i32
        %dma_start3A_594 = tpu.memref_slice %arg8[%dma_start3A_591, %dma_start3A_592, %dma_start3A_593] : memref<4x50x128xf32, #tpu.memory_space<vmem>> -> memref<1x50x128xf32, #tpu.memory_space<vmem>>
        %dma_start3A_595 = tpu.memref_squeeze %dma_start3A_594 : memref<1x50x128xf32, #tpu.memory_space<vmem>> -> memref<50x128xf32, #tpu.memory_space<vmem>>
        %dma_start3A_596 = arith.constant 0 : i32
        %dma_start3A_597 = tpu.memref_slice %arg7[%select_n3A_127, %add3A_547, %dma_start3A_596] : memref<2x40x50xi32, #tpu.memory_space<vmem>> -> memref<1x1x50xi32, #tpu.memory_space<vmem>>
        %dma_start3A_598 = tpu.memref_squeeze %dma_start3A_597 : memref<1x1x50xi32, #tpu.memory_space<vmem>> -> memref<50xi32, #tpu.memory_space<vmem>>
        %dma_start3A_599 = arith.constant 0 : i32
        %dma_start3A_600 = arith.constant 0 : i32
        %dma_start3A_601 = tpu.memref_slice %arg9[%dma_start3A_599, %dma_start3A_600] : memref<10000x128xf32, #tpu.memory_space<vmem_shared>> -> memref<10000x128xf32, #tpu.memory_space<vmem_shared>>
        tpu.enqueue_indirect_dma source(%dma_start3A_595 : memref<50x128xf32, #tpu.memory_space<vmem>>) target(%dma_start3A_601 : memref<10000x128xf32, #tpu.memory_space<vmem_shared>>) offsets(%dma_start3A_598 : memref<50xi32, #tpu.memory_space<vmem>>) semaphore(%arg17 : memref<!tpu.dma_semaphore, #tpu.memory_space<semaphore_mem>>) {add = true}
        %scan3A_602 = arith.constant 0 : i32
        scf.yield %scan3A_602 : i32
      }
      %scan3A_152 = arith.constant 5 : i32
      %scan3A_153 = arith.constant 0 : i32
      scf.yield %scan3A_153 : i32
    }
    %scan3A_74 = arith.constant 5 : i32
    %dma_wait3A = arith.constant 3 : i32
    %dma_wait3A_75 = arith.constant 0 : i32
    %dma_wait3A_76 = arith.constant 0 : i32
    %dma_wait3A_77 = arith.constant 0 : i32
    %dma_wait3A_78 = arith.constant 0 : i32
    %dma_wait3A_79 = tpu.memref_slice %arg8[%dma_wait3A, %dma_wait3A_77, %dma_wait3A_78] : memref<4x50x128xf32, #tpu.memory_space<vmem>> -> memref<1x50x128xf32, #tpu.memory_space<vmem>>
    %dma_wait3A_80 = tpu.memref_squeeze %dma_wait3A_79 : memref<1x50x128xf32, #tpu.memory_space<vmem>> -> memref<50x128xf32, #tpu.memory_space<vmem>>
    %dma_wait3A_81 = arith.constant 0 : i32
    %dma_wait3A_82 = tpu.memref_slice %arg7[%dma_wait3A_75, %dma_wait3A_76, %dma_wait3A_81] : memref<2x40x50xi32, #tpu.memory_space<vmem>> -> memref<1x1x50xi32, #tpu.memory_space<vmem>>
    %dma_wait3A_83 = tpu.memref_squeeze %dma_wait3A_82 : memref<1x1x50xi32, #tpu.memory_space<vmem>> -> memref<50xi32, #tpu.memory_space<vmem>>
    %dma_wait3A_84 = arith.constant 0 : i32
    %dma_wait3A_85 = arith.constant 0 : i32
    %dma_wait3A_86 = tpu.memref_slice %arg9[%dma_wait3A_84, %dma_wait3A_85] : memref<10000x128xf32, #tpu.memory_space<vmem_shared>> -> memref<10000x128xf32, #tpu.memory_space<vmem_shared>>
    tpu.wait_indirect_dma semaphore(%arg17 : memref<!tpu.dma_semaphore, #tpu.memory_space<semaphore_mem>>) src(%dma_wait3A_80 : memref<50x128xf32, #tpu.memory_space<vmem>>) dst(%dma_wait3A_86 : memref<10000x128xf32, #tpu.memory_space<vmem_shared>>)
    %barrier3A_87 = arith.constant 0 : index
    tpu.barrier barrier_id(%barrier3A_87)
    %add3A_88 = arith.constant 0 : i32
    %add3A_89 = arith.addi %arg1, %add3A_88 : i32
    %lt3A_90 = arith.constant 50 : i32
    %lt3A_91 = arith.cmpi slt, %add3A_89, %lt3A_90 : i32
    %convert_element_type3A_92 = arith.extui %lt3A_91 : i1 to i32
    %cond3A_93 = arith.constant 0 : i32
    %cond3A_94 = arith.cmpi ne, %convert_element_type3A_92, %cond3A_93 : i32
    scf.if %cond3A_94 {
      %mul3A_116 = arith.constant 200 : i32
      %mul3A_117 = arith.muli %add3A_89, %mul3A_116 : i32
      %mul3A_118 = arith.constant 200 : i32
      %mul3A_119 = arith.muli %add3A_89, %mul3A_118 : i32
      "tpu.region"() ({
        %run_scoped3A_120 = tpu.sem_alloc : memref<!tpu.dma_semaphore, #tpu.memory_space<semaphore_mem>>
        %dma_start3A_121 = arith.constant 0 : i32
        %dma_start3A_122 = tpu.memref_slice %arg5[%arg0, %mul3A_119, %dma_start3A_121] : memref<2x10000x128xf32, #tpu.memory_space<hbm>> -> memref<1x200x128xf32, #tpu.memory_space<hbm>>
        %dma_start3A_123 = tpu.memref_squeeze %dma_start3A_122 : memref<1x200x128xf32, #tpu.memory_space<hbm>> -> memref<200x128xf32, #tpu.memory_space<hbm>>
        %dma_start3A_124 = arith.constant 0 : i32
        %dma_start3A_125 = tpu.memref_slice %arg9[%mul3A_117, %dma_start3A_124] : memref<10000x128xf32, #tpu.memory_space<vmem_shared>> -> memref<200x128xf32, #tpu.memory_space<vmem_shared>>
        tpu.enqueue_dma source(%dma_start3A_125 : memref<200x128xf32, #tpu.memory_space<vmem_shared>>) target(%dma_start3A_123 : memref<200x128xf32, #tpu.memory_space<hbm>>) target_semaphore(%run_scoped3A_120 : memref<!tpu.dma_semaphore, #tpu.memory_space<semaphore_mem>>)
        %dma_wait3A_126 = arith.constant 0 : i32
        %dma_wait3A_127 = tpu.memref_slice %arg5[%arg0, %mul3A_119, %dma_wait3A_126] : memref<2x10000x128xf32, #tpu.memory_space<hbm>> -> memref<1x200x128xf32, #tpu.memory_space<hbm>>
        %dma_wait3A_128 = tpu.memref_squeeze %dma_wait3A_127 : memref<1x200x128xf32, #tpu.memory_space<hbm>> -> memref<200x128xf32, #tpu.memory_space<hbm>>
        %dma_wait3A_129 = arith.constant 0 : i32
        %dma_wait3A_130 = tpu.memref_slice %arg9[%mul3A_117, %dma_wait3A_129] : memref<10000x128xf32, #tpu.memory_space<vmem_shared>> -> memref<200x128xf32, #tpu.memory_space<vmem_shared>>
        tpu.wait_dma2 semaphore(%run_scoped3A_120 : memref<!tpu.dma_semaphore, #tpu.memory_space<semaphore_mem>>) src(%dma_wait3A_130 : memref<200x128xf32, #tpu.memory_space<vmem_shared>>) dst(%dma_wait3A_128 : memref<200x128xf32, #tpu.memory_space<hbm>>)
        tpu.yield
      }) : () -> ()
    } else {
    }
    %add3A_95 = arith.constant 16 : i32
    %add3A_96 = arith.addi %arg1, %add3A_95 : i32
    %lt3A_97 = arith.constant 50 : i32
    %lt3A_98 = arith.cmpi slt, %add3A_96, %lt3A_97 : i32
    %convert_element_type3A_99 = arith.extui %lt3A_98 : i1 to i32
    %cond3A_100 = arith.constant 0 : i32
    %cond3A_101 = arith.cmpi ne, %convert_element_type3A_99, %cond3A_100 : i32
    scf.if %cond3A_101 {
      %mul3A_116 = arith.constant 200 : i32
      %mul3A_117 = arith.muli %add3A_96, %mul3A_116 : i32
      %mul3A_118 = arith.constant 200 : i32
      %mul3A_119 = arith.muli %add3A_96, %mul3A_118 : i32
      "tpu.region"() ({
        %run_scoped3A_120 = tpu.sem_alloc : memref<!tpu.dma_semaphore, #tpu.memory_space<semaphore_mem>>
        %dma_start3A_121 = arith.constant 0 : i32
        %dma_start3A_122 = tpu.memref_slice %arg5[%arg0, %mul3A_119, %dma_start3A_121] : memref<2x10000x128xf32, #tpu.memory_space<hbm>> -> memref<1x200x128xf32, #tpu.memory_space<hbm>>
        %dma_start3A_123 = tpu.memref_squeeze %dma_start3A_122 : memref<1x200x128xf32, #tpu.memory_space<hbm>> -> memref<200x128xf32, #tpu.memory_space<hbm>>
        %dma_start3A_124 = arith.constant 0 : i32
        %dma_start3A_125 = tpu.memref_slice %arg9[%mul3A_117, %dma_start3A_124] : memref<10000x128xf32, #tpu.memory_space<vmem_shared>> -> memref<200x128xf32, #tpu.memory_space<vmem_shared>>
        tpu.enqueue_dma source(%dma_start3A_125 : memref<200x128xf32, #tpu.memory_space<vmem_shared>>) target(%dma_start3A_123 : memref<200x128xf32, #tpu.memory_space<hbm>>) target_semaphore(%run_scoped3A_120 : memref<!tpu.dma_semaphore, #tpu.memory_space<semaphore_mem>>)
        %dma_wait3A_126 = arith.constant 0 : i32
        %dma_wait3A_127 = tpu.memref_slice %arg5[%arg0, %mul3A_119, %dma_wait3A_126] : memref<2x10000x128xf32, #tpu.memory_space<hbm>> -> memref<1x200x128xf32, #tpu.memory_space<hbm>>
        %dma_wait3A_128 = tpu.memref_squeeze %dma_wait3A_127 : memref<1x200x128xf32, #tpu.memory_space<hbm>> -> memref<200x128xf32, #tpu.memory_space<hbm>>
        %dma_wait3A_129 = arith.constant 0 : i32
        %dma_wait3A_130 = tpu.memref_slice %arg9[%mul3A_117, %dma_wait3A_129] : memref<10000x128xf32, #tpu.memory_space<vmem_shared>> -> memref<200x128xf32, #tpu.memory_space<vmem_shared>>
        tpu.wait_dma2 semaphore(%run_scoped3A_120 : memref<!tpu.dma_semaphore, #tpu.memory_space<semaphore_mem>>) src(%dma_wait3A_130 : memref<200x128xf32, #tpu.memory_space<vmem_shared>>) dst(%dma_wait3A_128 : memref<200x128xf32, #tpu.memory_space<hbm>>)
        tpu.yield
      }) : () -> ()
    } else {
    }
    %add3A_102 = arith.constant 32 : i32
    %add3A_103 = arith.addi %arg1, %add3A_102 : i32
    %lt3A_104 = arith.constant 50 : i32
    %lt3A_105 = arith.cmpi slt, %add3A_103, %lt3A_104 : i32
    %convert_element_type3A_106 = arith.extui %lt3A_105 : i1 to i32
    %cond3A_107 = arith.constant 0 : i32
    %cond3A_108 = arith.cmpi ne, %convert_element_type3A_106, %cond3A_107 : i32
    scf.if %cond3A_108 {
      %mul3A_116 = arith.constant 200 : i32
      %mul3A_117 = arith.muli %add3A_103, %mul3A_116 : i32
      %mul3A_118 = arith.constant 200 : i32
      %mul3A_119 = arith.muli %add3A_103, %mul3A_118 : i32
      "tpu.region"() ({
        %run_scoped3A_120 = tpu.sem_alloc : memref<!tpu.dma_semaphore, #tpu.memory_space<semaphore_mem>>
        %dma_start3A_121 = arith.constant 0 : i32
        %dma_start3A_122 = tpu.memref_slice %arg5[%arg0, %mul3A_119, %dma_start3A_121] : memref<2x10000x128xf32, #tpu.memory_space<hbm>> -> memref<1x200x128xf32, #tpu.memory_space<hbm>>
        %dma_start3A_123 = tpu.memref_squeeze %dma_start3A_122 : memref<1x200x128xf32, #tpu.memory_space<hbm>> -> memref<200x128xf32, #tpu.memory_space<hbm>>
        %dma_start3A_124 = arith.constant 0 : i32
        %dma_start3A_125 = tpu.memref_slice %arg9[%mul3A_117, %dma_start3A_124] : memref<10000x128xf32, #tpu.memory_space<vmem_shared>> -> memref<200x128xf32, #tpu.memory_space<vmem_shared>>
        tpu.enqueue_dma source(%dma_start3A_125 : memref<200x128xf32, #tpu.memory_space<vmem_shared>>) target(%dma_start3A_123 : memref<200x128xf32, #tpu.memory_space<hbm>>) target_semaphore(%run_scoped3A_120 : memref<!tpu.dma_semaphore, #tpu.memory_space<semaphore_mem>>)
        %dma_wait3A_126 = arith.constant 0 : i32
        %dma_wait3A_127 = tpu.memref_slice %arg5[%arg0, %mul3A_119, %dma_wait3A_126] : memref<2x10000x128xf32, #tpu.memory_space<hbm>> -> memref<1x200x128xf32, #tpu.memory_space<hbm>>
        %dma_wait3A_128 = tpu.memref_squeeze %dma_wait3A_127 : memref<1x200x128xf32, #tpu.memory_space<hbm>> -> memref<200x128xf32, #tpu.memory_space<hbm>>
        %dma_wait3A_129 = arith.constant 0 : i32
        %dma_wait3A_130 = tpu.memref_slice %arg9[%mul3A_117, %dma_wait3A_129] : memref<10000x128xf32, #tpu.memory_space<vmem_shared>> -> memref<200x128xf32, #tpu.memory_space<vmem_shared>>
        tpu.wait_dma2 semaphore(%run_scoped3A_120 : memref<!tpu.dma_semaphore, #tpu.memory_space<semaphore_mem>>) src(%dma_wait3A_130 : memref<200x128xf32, #tpu.memory_space<vmem_shared>>) dst(%dma_wait3A_128 : memref<200x128xf32, #tpu.memory_space<hbm>>)
        tpu.yield
      }) : () -> ()
    } else {
    }
    %add3A_109 = arith.constant 48 : i32
    %add3A_110 = arith.addi %arg1, %add3A_109 : i32
    %lt3A_111 = arith.constant 50 : i32
    %lt3A_112 = arith.cmpi slt, %add3A_110, %lt3A_111 : i32
    %convert_element_type3A_113 = arith.extui %lt3A_112 : i1 to i32
    %cond3A_114 = arith.constant 0 : i32
    %cond3A_115 = arith.cmpi ne, %convert_element_type3A_113, %cond3A_114 : i32
    scf.if %cond3A_115 {
      %mul3A_116 = arith.constant 200 : i32
      %mul3A_117 = arith.muli %add3A_110, %mul3A_116 : i32
      %mul3A_118 = arith.constant 200 : i32
      %mul3A_119 = arith.muli %add3A_110, %mul3A_118 : i32
      "tpu.region"() ({
        %run_scoped3A_120 = tpu.sem_alloc : memref<!tpu.dma_semaphore, #tpu.memory_space<semaphore_mem>>
        %dma_start3A_121 = arith.constant 0 : i32
        %dma_start3A_122 = tpu.memref_slice %arg5[%arg0, %mul3A_119, %dma_start3A_121] : memref<2x10000x128xf32, #tpu.memory_space<hbm>> -> memref<1x200x128xf32, #tpu.memory_space<hbm>>
        %dma_start3A_123 = tpu.memref_squeeze %dma_start3A_122 : memref<1x200x128xf32, #tpu.memory_space<hbm>> -> memref<200x128xf32, #tpu.memory_space<hbm>>
        %dma_start3A_124 = arith.constant 0 : i32
        %dma_start3A_125 = tpu.memref_slice %arg9[%mul3A_117, %dma_start3A_124] : memref<10000x128xf32, #tpu.memory_space<vmem_shared>> -> memref<200x128xf32, #tpu.memory_space<vmem_shared>>
        tpu.enqueue_dma source(%dma_start3A_125 : memref<200x128xf32, #tpu.memory_space<vmem_shared>>) target(%dma_start3A_123 : memref<200x128xf32, #tpu.memory_space<hbm>>) target_semaphore(%run_scoped3A_120 : memref<!tpu.dma_semaphore, #tpu.memory_space<semaphore_mem>>)
        %dma_wait3A_126 = arith.constant 0 : i32
        %dma_wait3A_127 = tpu.memref_slice %arg5[%arg0, %mul3A_119, %dma_wait3A_126] : memref<2x10000x128xf32, #tpu.memory_space<hbm>> -> memref<1x200x128xf32, #tpu.memory_space<hbm>>
        %dma_wait3A_128 = tpu.memref_squeeze %dma_wait3A_127 : memref<1x200x128xf32, #tpu.memory_space<hbm>> -> memref<200x128xf32, #tpu.memory_space<hbm>>
        %dma_wait3A_129 = arith.constant 0 : i32
        %dma_wait3A_130 = tpu.memref_slice %arg9[%mul3A_117, %dma_wait3A_129] : memref<10000x128xf32, #tpu.memory_space<vmem_shared>> -> memref<200x128xf32, #tpu.memory_space<vmem_shared>>
        tpu.wait_dma2 semaphore(%run_scoped3A_120 : memref<!tpu.dma_semaphore, #tpu.memory_space<semaphore_mem>>) src(%dma_wait3A_130 : memref<200x128xf32, #tpu.memory_space<vmem_shared>>) dst(%dma_wait3A_128 : memref<200x128xf32, #tpu.memory_space<hbm>>)
        tpu.yield
      }) : () -> ()
    } else {
    }
    return
  }
}

module attributes {stable_mosaic.version = 14 : i64} {
  func.func @_norms_body(%arg0: memref<2x80x128xf32, #tpu.memory_space<vmem>>, %arg1: memref<2x80x128xf32, #tpu.memory_space<vmem>>, %arg2: memref<10000x1xf32, #tpu.memory_space<vmem>>, %arg3: memref<10000x1xf32, #tpu.memory_space<vmem>>) attributes {dimension_semantics = [], scalar_prefetch = 0 : i64, scratch_operands = 0 : i64, tpu.core_type = #tpu.core_type<tc>} {
    %get3A = arith.constant 0 : index
    %get3A_0 = arith.constant 0 : index
    %get3A_1 = arith.constant 0 : index
    %get3A_2 = vector.load %arg0[%get3A, %get3A_0, %get3A_1] : memref<2x80x128xf32, #tpu.memory_space<vmem>>, vector<2x80x128xf32>
    %slice3A = vector.extract_strided_slice %get3A_2 {offsets = [0, 0, 0], sizes = [1, 80, 128], strides = [1, 1, 1]} : vector<2x80x128xf32> to vector<1x80x128xf32>
    %squeeze3A = vector.shape_cast %slice3A : vector<1x80x128xf32> to vector<80x128xf32>
    %slice3A_3 = vector.extract_strided_slice %get3A_2 {offsets = [1, 0, 0], sizes = [1, 80, 128], strides = [1, 1, 1]} : vector<2x80x128xf32> to vector<1x80x128xf32>
    %squeeze3A_4 = vector.shape_cast %slice3A_3 : vector<1x80x128xf32> to vector<80x128xf32>
    %add3A = arith.addf %squeeze3A, %squeeze3A_4 : vector<80x128xf32>
    %reshape3A = vector.shape_cast %add3A : vector<80x128xf32> to vector<10240xf32>
    %slice3A_5 = vector.extract_strided_slice %reshape3A {offsets = [0], sizes = [10000], strides = [1]} : vector<10240xf32> to vector<10000xf32>
    %max3A = arith.constant 1.000000e+00 : f32
    %max3A_6 = vector.broadcast %max3A : f32 to vector<10000xf32>
    %max3A_7 = arith.maximumf %slice3A_5, %max3A_6 : vector<10000xf32>
    %rsqrt3A = math.rsqrt %max3A_7 : vector<10000xf32>
    %broadcast_in_dim3A = vector.shape_cast %rsqrt3A : vector<10000xf32> to vector<10000x1xf32>
    %swap3A = arith.constant 0 : index
    %swap3A_8 = arith.constant 0 : index
    %swap3A_9 = vector.load %arg2[%swap3A, %swap3A_8] : memref<10000x1xf32, #tpu.memory_space<vmem>>, vector<10000x1xf32>
    tpu.vector_store %arg2[%swap3A, %swap3A_8], %broadcast_in_dim3A {strides = array<i32>} : memref<10000x1xf32, #tpu.memory_space<vmem>>, vector<10000x1xf32>,
    %get3A_10 = arith.constant 0 : index
    %get3A_11 = arith.constant 0 : index
    %get3A_12 = arith.constant 0 : index
    %get3A_13 = vector.load %arg1[%get3A_10, %get3A_11, %get3A_12] : memref<2x80x128xf32, #tpu.memory_space<vmem>>, vector<2x80x128xf32>
    %slice3A_14 = vector.extract_strided_slice %get3A_13 {offsets = [0, 0, 0], sizes = [1, 80, 128], strides = [1, 1, 1]} : vector<2x80x128xf32> to vector<1x80x128xf32>
    %squeeze3A_15 = vector.shape_cast %slice3A_14 : vector<1x80x128xf32> to vector<80x128xf32>
    %slice3A_16 = vector.extract_strided_slice %get3A_13 {offsets = [1, 0, 0], sizes = [1, 80, 128], strides = [1, 1, 1]} : vector<2x80x128xf32> to vector<1x80x128xf32>
    %squeeze3A_17 = vector.shape_cast %slice3A_16 : vector<1x80x128xf32> to vector<80x128xf32>
    %add3A_18 = arith.addf %squeeze3A_15, %squeeze3A_17 : vector<80x128xf32>
    %reshape3A_19 = vector.shape_cast %add3A_18 : vector<80x128xf32> to vector<10240xf32>
    %slice3A_20 = vector.extract_strided_slice %reshape3A_19 {offsets = [0], sizes = [10000], strides = [1]} : vector<10240xf32> to vector<10000xf32>
    %max3A_21 = arith.constant 1.000000e+00 : f32
    %max3A_22 = vector.broadcast %max3A_21 : f32 to vector<10000xf32>
    %max3A_23 = arith.maximumf %slice3A_20, %max3A_22 : vector<10000xf32>
    %rsqrt3A_24 = math.rsqrt %max3A_23 : vector<10000xf32>
    %broadcast_in_dim3A_25 = vector.shape_cast %rsqrt3A_24 : vector<10000xf32> to vector<10000x1xf32>
    %swap3A_26 = arith.constant 0 : index
    %swap3A_27 = arith.constant 0 : index
    %swap3A_28 = vector.load %arg3[%swap3A_26, %swap3A_27] : memref<10000x1xf32, #tpu.memory_space<vmem>>, vector<10000x1xf32>
    tpu.vector_store %arg3[%swap3A_26, %swap3A_27], %broadcast_in_dim3A_25 {strides = array<i32>} : memref<10000x1xf32, #tpu.memory_space<vmem>>, vector<10000x1xf32>,
    return
  }
}

module attributes {stable_mosaic.version = 14 : i64} {
  func.func @_matmul_body(%arg0: i32, %arg1: memref<1000x128xf32, #tpu.memory_space<vmem>>, %arg2: memref<1000x1xf32, #tpu.memory_space<vmem>>, %arg3: memref<128x128xf32, #tpu.memory_space<vmem>>, %arg4: memref<1000x128xf32, #tpu.memory_space<vmem>>) attributes {dimension_semantics = [#tpu.dimension_semantics<arbitrary>], iteration_bounds = array<i64: 10>, scalar_prefetch = 0 : i64, scratch_operands = 0 : i64, tpu.core_type = #tpu.core_type<tc>, window_params = [{transform_indices = @transform_0, window_bounds = array<i64: 1000, 128>}, {transform_indices = @transform_1, window_bounds = array<i64: 1000, 1>}, {pipeline_mode = #tpu.pipeline_mode<synchronous>, transform_indices = @transform_2, window_bounds = array<i64: 128, 128>}, {transform_indices = @transform_3, window_bounds = array<i64: 1000, 128>}]} {
    %get3A = arith.constant 0 : index
    %get3A_0 = arith.constant 0 : index
    %get3A_1 = vector.load %arg1[%get3A, %get3A_0] : memref<1000x128xf32, #tpu.memory_space<vmem>>, vector<1000x128xf32>
    %get3A_2 = arith.constant 0 : index
    %get3A_3 = arith.constant 0 : index
    %get3A_4 = vector.load %arg2[%get3A_2, %get3A_3] : memref<1000x1xf32, #tpu.memory_space<vmem>>, vector<1000x1xf32>
    %mul3A = vector.broadcast %get3A_4 : vector<1000x1xf32> to vector<1000x128xf32>
    %mul3A_5 = arith.mulf %get3A_1, %mul3A : vector<1000x128xf32>
    %get3A_6 = arith.constant 0 : index
    %get3A_7 = arith.constant 0 : index
    %get3A_8 = vector.load %arg3[%get3A_6, %get3A_7] : memref<128x128xf32, #tpu.memory_space<vmem>>, vector<128x128xf32>
    %dot_general3A = arith.constant dense<0.000000e+00> : vector<1000x128xf32>
    %dot_general3A_9 = tpu.matmul %mul3A_5, %get3A_8, %dot_general3A {dimension_numbers = #tpu.dot_dimension_numbers<[1], [0], [0], [1], [0, 0, 1, 1], [], []>, transpose_lhs_hint = false} : vector<1000x128xf32>, vector<128x128xf32>, vector<1000x128xf32> -> vector<1000x128xf32>
    %swap3A = arith.constant 0 : index
    %swap3A_10 = arith.constant 0 : index
    %swap3A_11 = vector.load %arg4[%swap3A, %swap3A_10] : memref<1000x128xf32, #tpu.memory_space<vmem>>, vector<1000x128xf32>
    tpu.vector_store %arg4[%swap3A, %swap3A_10], %dot_general3A_9 {strides = array<i32>} : memref<1000x128xf32, #tpu.memory_space<vmem>>, vector<1000x128xf32>,
    return
  }
  func.func @transform_0(%arg0: i32) -> (i32, i32) {
    %c0_i32 = arith.constant 0 : i32
    %c0_i32_0 = arith.constant 0 : i32
    return %arg0, %c0_i32 : i32, i32
  }
  func.func @transform_1(%arg0: i32) -> (i32, i32) {
    %c0_i32 = arith.constant 0 : i32
    %c0_i32_0 = arith.constant 0 : i32
    return %arg0, %c0_i32 : i32, i32
  }
  func.func @transform_2(%arg0: i32) -> (i32, i32) {
    %c0_i32 = arith.constant 0 : i32
    %c0_i32_0 = arith.constant 0 : i32
    %c0_i32_1 = arith.constant 0 : i32
    return %c0_i32, %c0_i32_0 : i32, i32
  }
  func.func @transform_3(%arg0: i32) -> (i32, i32) {
    %c0_i32 = arith.constant 0 : i32
    %c0_i32_0 = arith.constant 0 : i32
    return %arg0, %c0_i32 : i32, i32
  }
}

module attributes {stable_mosaic.version = 14 : i64} {
  func.func @_finalize_body(%arg0: i32, %arg1: memref<2x1000x128xf32, #tpu.memory_space<vmem>>, %arg2: memref<1000x1xf32, #tpu.memory_space<vmem>>, %arg3: memref<1x128xf32, #tpu.memory_space<vmem>>, %arg4: memref<1000x128xf32, #tpu.memory_space<vmem>>) attributes {dimension_semantics = [#tpu.dimension_semantics<arbitrary>], iteration_bounds = array<i64: 10>, scalar_prefetch = 0 : i64, scratch_operands = 0 : i64, tpu.core_type = #tpu.core_type<tc>, window_params = [{transform_indices = @transform_0, window_bounds = array<i64: 2, 1000, 128>}, {transform_indices = @transform_1, window_bounds = array<i64: 1000, 1>}, {pipeline_mode = #tpu.pipeline_mode<synchronous>, transform_indices = @transform_2, window_bounds = array<i64: 1, 128>}, {transform_indices = @transform_3, window_bounds = array<i64: 1000, 128>}]} {
    %get3A = arith.constant 0 : index
    %get3A_0 = arith.constant 0 : index
    %get3A_1 = arith.constant 0 : index
    %get3A_2 = vector.load %arg1[%get3A, %get3A_0, %get3A_1] : memref<2x1000x128xf32, #tpu.memory_space<vmem>>, vector<1x1000x128xf32>
    %get3A_3 = vector.shape_cast %get3A_2 : vector<1x1000x128xf32> to vector<1000x128xf32>
    %get3A_4 = arith.constant 1 : index
    %get3A_5 = arith.constant 0 : index
    %get3A_6 = arith.constant 0 : index
    %get3A_7 = vector.load %arg1[%get3A_4, %get3A_5, %get3A_6] : memref<2x1000x128xf32, #tpu.memory_space<vmem>>, vector<1x1000x128xf32>
    %get3A_8 = vector.shape_cast %get3A_7 : vector<1x1000x128xf32> to vector<1000x128xf32>
    %add3A = arith.addf %get3A_3, %get3A_8 : vector<1000x128xf32>
    %get3A_9 = arith.constant 0 : index
    %get3A_10 = arith.constant 0 : index
    %get3A_11 = vector.load %arg2[%get3A_9, %get3A_10] : memref<1000x1xf32, #tpu.memory_space<vmem>>, vector<1000x1xf32>
    %mul3A = vector.broadcast %get3A_11 : vector<1000x1xf32> to vector<1000x128xf32>
    %mul3A_12 = arith.mulf %add3A, %mul3A : vector<1000x128xf32>
    %get3A_13 = arith.constant 0 : index
    %get3A_14 = arith.constant 0 : index
    %get3A_15 = vector.load %arg3[%get3A_13, %get3A_14] : memref<1x128xf32, #tpu.memory_space<vmem>>, vector<1x128xf32>
    %add3A_16 = vector.broadcast %get3A_15 : vector<1x128xf32> to vector<1000x128xf32>
    %add3A_17 = arith.addf %mul3A_12, %add3A_16 : vector<1000x128xf32>
    %swap3A = arith.constant 0 : index
    %swap3A_18 = arith.constant 0 : index
    %swap3A_19 = vector.load %arg4[%swap3A, %swap3A_18] : memref<1000x128xf32, #tpu.memory_space<vmem>>, vector<1000x128xf32>
    tpu.vector_store %arg4[%swap3A, %swap3A_18], %add3A_17 {strides = array<i32>} : memref<1000x128xf32, #tpu.memory_space<vmem>>, vector<1000x128xf32>,
    return
  }
  func.func @transform_0(%arg0: i32) -> (i32, i32, i32) {
    %c0_i32 = arith.constant 0 : i32
    %c0_i32_0 = arith.constant 0 : i32
    %c0_i32_1 = arith.constant 0 : i32
    return %c0_i32, %arg0, %c0_i32_0 : i32, i32, i32
  }
  func.func @transform_1(%arg0: i32) -> (i32, i32) {
    %c0_i32 = arith.constant 0 : i32
    %c0_i32_0 = arith.constant 0 : i32
    return %arg0, %c0_i32 : i32, i32
  }
  func.func @transform_2(%arg0: i32) -> (i32, i32) {
    %c0_i32 = arith.constant 0 : i32
    %c0_i32_0 = arith.constant 0 : i32
    %c0_i32_1 = arith.constant 0 : i32
    return %c0_i32, %c0_i32_0 : i32, i32
  }
  func.func @transform_3(%arg0: i32) -> (i32, i32) {
    %c0_i32 = arith.constant 0 : i32
    %c0_i32_0 = arith.constant 0 : i32
    return %arg0, %c0_i32 : i32, i32
  }
}

</mosaic_0001>

<sc_bundles>
// kernel: kernel.10.cloned.1.call-start
scs
__scs_entry_jumppad:
0x0: {  	(pc) =	sbr.rel $0x88, $3  }
0x1: {  	(tag) =	ssettag $0x0;
	lr =	simm.s32 $0x1  }
0x2: {  	[smem:$0x3F9D] =	sst lr;
	_ =	strace $0xD0000000  }
0x3: {  	_ = 	snop  }
0x4: {  	_ = 	snop  }
0x5: {  	_ = 	snop  }
0x6: {  	_ = 	snop  }
0x7: {  	_ = 	snop  }
__scs_overlays_trampoline_lowered:
0x8: {  	[smem:$0x3FAC] =	sst s0  }
0x9: {  	[smem:$0x3FAD] =	sst s1  }
0xa: {  	[smem:$0x3FAE] =	sst s2  }
0xb: {  	[smem:$0x3FAF] =	sst s3  }
0xc: {  	[smem:$0x3FB0] =	sst s4  }
0xd: {  	[smem:$0x3FB1] =	sst s5  }
0xe: {  	[smem:$0x3FB2] =	sst s6  }
0xf: {  	[smem:$0x3FB3] =	sst s7  }
0x10: {  	[smem:$0x3FB4] =	sst s8  }
0x11: {  	[smem:$0x3FB5] =	sst s9;
	s0 =	simm.s32 @!p0 $0x0  }
0x12: {  	s1 =	sld [smem:$0x3F9B];
	s0 =	simm.s32 @p0 $0x1  }
0x13: {  	[smem:$0x3FB6] =	sst s0;
	s0 =	simm.s32 @!p1 $0x0  }
0x14: {  	s2 =	sld [smem:$0x3F9A];
	s0 =	simm.s32 @p1 $0x1  }
0x15: {  	[smem:$0x3FB7] =	sst s0;
	s0 =	simm.s32 @!p2 $0x0  }
0x16: {  	s3 =	sld [smem:$0x3FDB];
	s0 =	simm.s32 @p2 $0x1  }
0x17: {  	s4 =	simm.s32 $0x1BF5;
	[smem:$0x3FB9] =	sst s0  }
0x18: {  	s0 =	sld [smem:$0x3F9C];
	_ =	swait.ge [sflag:s4], $0x0  }
0x19: {  	s7 =	sld [smem:$0x3F9D]  }
0x1a: {  	s8 =	sadd.s32 $0xFFFFE003, lr  }
0x1b: {  	s9 =	sadd.s32 $0xFFFFFEF7, lr;
	s5 =	simm.s32 $0xFFFFFFFF;
	p2 =	slt.u32 s8, $0xFFFFF086  }
0x1c: {  	p1 =	slt.u32 s9, $0xF7A;
	s5 =	simm.s32 @!p2 $0x0  }
0x1d: {  	s5 =	simm.s32 @p1 $0x1;
	p0 =	seq.s32 s7, s2  }
0x1e: {  	s7 =	smul.u32 @!p0 $0xF7A, s2;
	p2 =	seq.s32 @!p0 s5, $0x0  }
0x1f: {  	s9 =	smul.u32 $0xF7A, s1;
	s8 =	simm.s32 @!p0 $0x1BF5;
	p2 =	por !p2, p0  }
0x20: {  	[sflag:s8] =	ssyncset.s32 @!p0 $0xFFFFF086;
	s6 =	sadd.s32 @!p0 s3, s7;
	s7 =	simm.s32 @!p0 $0x108  }
0x21: {  	s3 =	sadd.s32 s3, s9;
	s6 =	sadd.s32 @!p0 $0x88, s6;
	s7 =	simm.s32 @p2 $0x1082  }
0x22: {  	[simem:s7], [sflag:s8] =	dma.local @!p0 [hbm:s6], $0xF7A  }
0x23: {  	s9 =	sor.u32 $0xD0000000, s2;
	s6 =	simm.s32 $0x108;
	_ =	swait.ge @!p0 [sflag:s8], $0x0  }
0x24: {  	s3 =	sadd.s32 $0x88, s3;
	s6 =	simm.s32 @!p1 $0x1082;
	[sflag:s4] =	ssyncset.s32 $0xFFFFF086  }
0x25: {  	[simem:s6], [sflag:s4] =	dma.local [hbm:s3], $0xF7A  }
0x26: {  	[smem:$0x3F9D] =	sst s1;
	(tag) =	ssettag s2;
	_ =	strace s9  }
0x27: {  	s1 =	sld [smem:$0x3FAD]  }
0x28: {  	s2 =	sld [smem:$0x3FAE]  }
0x29: {  	s4 =	sld [smem:$0x3FB0]  }
0x2a: {  	p0 =	seq.s32 s5, $0x0;
	s5 =	sld [smem:$0x3FB1]  }
0x2b: {  	s6 =	sld [smem:$0x3FB2]  }
0x2c: {  	s7 =	sld [smem:$0x3FB3]  }
0x2d: {  	s3 =	simm.s32 $0x108;
	s8 =	sld [smem:$0x3FB4]  }
0x2e: {  	s3 =	simm.s32 @!p0 $0x1082;
	s9 =	sld [smem:$0x3FB5]  }
0x2f: {  	lr =	sadd.s32 s0, s3;
	s0 =	sld [smem:$0x3FAC]  }
0x30: {  	s3 =	sld [smem:$0x3FAF]  }
0x31: {  	[smem:$0x3FB8] =	sst s10  }
0x32: {  	s10 =	sld [smem:$0x3FB6];
	_ =	sdelay $0x3  }
0x33: {  	p0 =	seq.s32 s10, $0x1;
	s10 =	sld [smem:$0x3FB8];
	_ =	sdelay $0x3  }
0x34: {  	[smem:$0x3FB8] =	sst s10  }
0x35: {  	s10 =	sld [smem:$0x3FB7];
	_ =	sdelay $0x3  }
0x36: {  	p1 =	seq.s32 s10, $0x1;
	s10 =	sld [smem:$0x3FB8];
	_ =	sdelay $0x3  }
0x37: {  	[smem:$0x3FB8] =	sst s10  }
0x38: {  	s10 =	sld [smem:$0x3FB9]  }
0x39: {  	_ = 	snop;
	(pc) =	sbr.ind lr, $3  }
0x3a: {  	_ = 	snop  }
0x3b: {  	_ = 	snop  }
0x3c: {  	p2 =	seq.s32 s10, $0x1;
	s10 =	sld [smem:$0x3FB8]  }
0x3d: {  	_ =	shalt  }
0x3e: {  	_ =	shalt  }
0x3f: {  	_ =	shalt  }
0x40: {  	_ =	shalt  }
0x41: {  	_ =	shalt  }
0x42: {  	_ =	shalt  }
0x43: {  	_ =	shalt  }
0x44: {  	_ =	shalt  }
0x45: {  	_ =	shalt  }
0x46: {  	_ =	shalt  }
0x47: {  	_ =	shalt  }
0x48: {  	_ =	shalt  }
0x49: {  	_ =	shalt  }
0x4a: {  	_ =	shalt  }
0x4b: {  	_ =	shalt  }
0x4c: {  	_ =	shalt  }
0x4d: {  	_ =	shalt  }
0x4e: {  	_ =	shalt  }
0x4f: {  	_ =	shalt  }
0x50: {  	_ =	shalt  }
0x51: {  	_ =	shalt  }
0x52: {  	_ =	shalt  }
0x53: {  	_ =	shalt  }
0x54: {  	_ =	shalt  }
0x55: {  	_ =	shalt  }
0x56: {  	_ =	shalt  }
0x57: {  	_ =	shalt  }
0x58: {  	_ =	shalt  }
0x59: {  	_ =	shalt  }
0x5a: {  	_ =	shalt  }
0x5b: {  	_ =	shalt  }
0x5c: {  	_ =	shalt  }
0x5d: {  	_ =	shalt  }
0x5e: {  	_ =	shalt  }
0x5f: {  	_ =	shalt  }
0x60: {  	_ =	shalt  }
0x61: {  	_ =	shalt  }
0x62: {  	_ =	shalt  }
0x63: {  	_ =	shalt  }
0x64: {  	_ =	shalt  }
0x65: {  	_ =	shalt  }
0x66: {  	_ =	shalt  }
0x67: {  	_ =	shalt  }
0x68: {  	_ =	shalt  }
0x69: {  	_ =	shalt  }
0x6a: {  	_ =	shalt  }
0x6b: {  	_ =	shalt  }
0x6c: {  	_ =	shalt  }
0x6d: {  	_ =	shalt  }
0x6e: {  	_ =	shalt  }
0x6f: {  	_ =	shalt  }
0x70: {  	_ =	shalt  }
0x71: {  	_ =	shalt  }
0x72: {  	_ =	shalt  }
0x73: {  	_ =	shalt  }
0x74: {  	_ =	shalt  }
0x75: {  	_ =	shalt  }
0x76: {  	_ =	shalt  }
0x77: {  	_ =	shalt  }
0x78: {  	_ =	shalt  }
0x79: {  	_ =	shalt  }
0x7a: {  	_ =	shalt  }
0x7b: {  	_ =	shalt  }
0x7c: {  	_ =	shalt  }
0x7d: {  	_ =	shalt  }
0x7e: {  	_ =	shalt  }
0x7f: {  	_ =	shalt  }
0x80: {  	_ =	shalt  }
0x81: {  	_ =	shalt  }
0x82: {  	_ =	shalt  }
0x83: {  	_ =	shalt  }
0x84: {  	_ =	shalt  }
0x85: {  	_ =	shalt  }
0x86: {  	_ =	shalt  }
0x87: {  	_ =	shalt  }
.Lfunc_end0:
.L_simem_size_0:
called_computation.1_lowered:
.L_overlay_start_0:
0x88: {  	s2 =	sld [smem:$0x3FD9]  }
0x89: {  	s3 =	sld [smem:$0x3FFE];
	_ =	sdelay $0x1  }
0x8a: {  	s1 =	srdreg.scid  }
0x8b: {  	s0 =	sand.u32 $0x1, s1  }
0x8c: {  	s17 =	sshll.u32 s0, $0xA;
	s2 =	sadd.s32 s3, s2  }
0x8d: {  	s2 =	sadd.s32 s2, s17  }
0x8e: {  	[smem:$0x3FC4] =	sst s2  }
0x8f: {  	_ = 	snop  }
0x90: {  	s2 =	sld [smem:$0x3FD0];
	(tm) =	ssettm $0x1  }
0x91: {  	s18 =	sld [smem:$0x3FFB];
	_ =	sdelay $0x3  }
0x92: {  	_ =	strace s18  }
0x93: {  	s3 =	sld [smem:$0x3FFC];
	_ =	sdelay $0x3  }
0x94: {  	_ =	strace s3  }
0x95: {  	s3 =	sld [smem:$0x3FFD];
	_ =	sdelay $0x3  }
0x96: {  	_ =	strace s3  }
0x97: {  	_ =	strace $0x8FFFFFFF  }
0x98: {  	s19 =	sld [smem:$0x3FDB];
	_ =	sdelay $0x1  }
0x99: {  	s4 =	simm.s32 $_scs_section_size  }
0x9a: {  	s5 =	simm.s32 $_size__tile_overlayer_lowered;
	s6 =	simm.s32 $_tile_overlayer_lowered  }
0x9b: {  	s22 =	simm.s32 $0x1BFF;
	s21 =	sshll.u32 s6, $0x1;
	s3 =	sadd.s32 s4, s19  }
0x9c: {  	s7 =	simm.s32 $0x0;
	s20 =	sshll.u32 s5, $0x1;
	s5 =	sadd.s32 s21, s3  }
0x9d: {  	[timem:s7], [sflag:s22] =	dma.local [hbm:s5], s20  }
0x9e: {  	_ =	swait.ge [sflag:s22], s20  }
0x9f: {  	s4 =	ssub.s32 $0x0, s20;
	[sflag:s22] =	ssyncset.done $0x0  }
0xa0: {  	[sflag:s22] =	ssyncadd.s32 s4;
	_ =	sdelay $0x1  }
0xa1: {  	s23 =	simm.s32 $0x1B8B  }
0xa2: {  	_ =	swait.ge [sflag:s23], $0x1  }
0xa3: {  	[sflag:s23] =	ssyncset.done $0x0  }
0xa4: {  	s25 =	simm.s32 $0x1B8E;
	s24 =	sld [smem:$0x3FFE];
	[sflag:s23] =	ssyncadd.s32 $0xFFFFFFFF  }
0xa5: {  	s26 =	simm.s32 $execute0_lowered;
	[smem:$0x3FD2] =	sst s25  }
0xa6: {  	s5 =	sshll.u32 s26, $0x1;
	_ =	strace $0x80000049;
	[dreg:$0x1] =	wrdreg $0xFFFFFFFF  }
0xa7: {  	s28 =	simm.s32 $_size_execute0_lowered;
	s3 =	sadd.s32 s3, s5;
	[dreg:$0x0] =	wrdreg $0x0  }
0xa8: {  	s5 =	sshll.u32 s28, $0x1;
	[dreg:$0x2] =	wrdreg s3  }
0xa9: {  	[dreg:$0x3] =	wrdreg s5  }
0xaa: {  	[dreg:$0x4] =	wrdreg $0xC0  }
0xab: {  	_ =	task [dreg:s7], $0x5FFFF  }
0xac: {  	[dreg:$0x1] =	wrdreg $0xFFFFFFFF  }
0xad: {  	[dreg:$0x0] =	wrdreg $0x60  }
0xae: {  	[dreg:$0x2] =	wrdreg s2  }
0xaf: {  	[dreg:$0x3] =	wrdreg s24  }
0xb0: {  	[dreg:$0x4] =	wrdreg $0xC0000  }
0xb1: {  	[dreg:$0x5] =	wrdreg $0x9  }
0xb2: {  	_ =	task.clear_ibuf [dreg:s7], $0x6FFFF;
	_ =	strace $0x90000049  }
0xb3: {  	s29 =	simm.s32 $0x9;
	_ =	strace $0x8000004B  }
0xb4: {  	_ =	swait.ge [sflag:s29], $0x1  }
0xb5: {  	[sflag:s29] =	ssyncadd.s32 $0xFFFFFFFF  }
0xb6: {  	_ =	strace $0x9000004B  }
0xb7: {  	_ =	sfence  }
0xb8: {  	s30 =	sld [smem:$0x0];
	_ =	sdelay $0x2  }
0xb9: {  	s31 =	sshll.u32 s1, $0xD;
	s1 =	sshrl.u32 s1, $0x2  }
0xba: {  	s3 =	sand.u32 $0x4000, s31;
	s1 =	sadd.s32 s1, s30  }
0xbb: {  	s0 =	sor.u32 s3, s0;
	s1 =	sshll.u32 s1, $0x11  }
0xbc: {  	s0 =	sor.u32 s1, s0  }
0xbd: {  	s0 =	sadd.s32 $0x8F2B, s0  }
0xbe: {  	[sflag:s0] =	ssyncadd.remote.s32 $0x1  }
0xbf: {  	_ =	sfence.sel $0xFFFF  }
0xc0: {  	[dreg:$0x0] =	wrdreg $0xFFFFFFFF;
	(pc) =	sbr.abs _section_cstart, $3  }
0xc1: {  	[dreg:$0x1] =	wrdreg $0xFFFFFFFF  }
0xc2: {  	_ =	task.clear_ibuf [dreg:s7], $0x2FFFF;
	_ =	strace $0x9FFFFFFF  }
0xc3: {  	(tm) =	ssettm $0x7FFFFFFF  }
tec
execute0_lowered:
.L_overlay_start_1:
0x0: {  	(tag) =	ssettag $0x1  }
0x1: {  	s1 =	rddreg [dreg:$0x0]  }
0x2: {  	s0 =	rddreg [dreg:$0x1]  }
0x3: {  	s2 =	rddreg [dreg:$0x2];
	s3 =	simm.s32 $0x0;
	s24 =	srdreg.scid  }
0x4: {  	s15 =	stileid.u32;
	s29 =	simm.s32 $0x8800;
	s30 =	simm.s32 $0xA400  }
0x5: {  	s31 =	simm.s32 $0x1;
	s28 =	simm.s32 $0x7;
	[smem:$0x7FF] =	sst s3  }
0x6: {  	s3 =	sand.u32 $0x1, s24;
	s16 =	sadd.s32 $0x3800, s0;
	s4 =	sadd.s32 $0x2400, s0  }
0x7: {  	s5 =	sadd.s32 $0x35800, s0;
	s26 =	smul.u32 $0x19000, s15;
	s7 =	sor.u32 $0x10, s15  }
0x8: {  	s10 =	sor.u32 $0x20, s15;
	s12 =	sor.u32 $0x30, s15;
	s9 =	smul.u32 $0x19000, s7  }
0x9: {  	s13 =	sshll.u32 s15, $0x6;
	s0 =	sadd.s32 $0x1C800, s0;
	s11 =	smul.u32 $0x19000, s10  }
0xa: {  	_ =	strace $0x8000004A;
	[dreg:$0x5] =	wrdreg s4;
	s14 =	smul.u32 $0x19000, s12  }
0xb: {  	s25 =	ssub.s32 $0x2, s3;
	s8 =	sshll.u32 s3, $0x4;
	s3 =	smul.u32 $0x138800, s3  }
0xc: {  	p0 =	sgt.u32 s15, $0x1;
	[dreg:$0x4] =	wrdreg s16;
	s7 =	smul.u32 $0x6400, s7  }
0xd: {  	s13 =	sor.u32 $0x1C0B, s13;
	s19 =	smul.u32 $0x6400, s10;
	[dreg:$0xd] =	wrdreg s0  }
0xe: {  	s21 =	smul.u32 $0x6400, s12;
	s10 =	simm.s32 $0x8;
	s6 =	sshrl.u32 s25, $0x1  }
0xf: {  	s8 =	sor.u32 s15, s8;
	[dreg:$0x6] =	wrdreg s13;
	s4 =	ssub.s32 s25, s6  }
0x10: {  	s6 =	sshrl.u32 s26, $0x2;
	s17 =	smul.u32 $0xC8, s8;
	s9 =	sshrl.u32 s9, $0x2  }
0x11: {  	s11 =	sshrl.u32 s11, $0x2;
	s8 =	smul.u32 $0x6400, s8;
	s14 =	sshrl.u32 s14, $0x2  }
0x12: {  	s22 =	sadd.s32 s3, s7;
	s23 =	sadd.s32 s3, s19;
	s6 =	sadd.s32 s6, s2  }
0x13: {  	s9 =	sadd.s32 s9, s2;
	s11 =	sadd.s32 s11, s2;
	[dreg:$0x7] =	wrdreg s17  }
0x14: {  	s7 =	sshrl.u32 s23, $0x3;
	s26 =	smax.u32 s4, $0x1;
	[dreg:$0x8] =	wrdreg s9  }
0x15: {  	s23 =	simm.s32 $0x32;
	s4 =	simm.s32 $0x2;
	[dreg:$0x9] =	wrdreg s11  }
0x16: {  	s8 =	sshrl.u32 s8, $0x3;
	s17 =	smul.u32 $0x6400, s15;
	s9 =	sadd.s32 s14, s2  }
0x17: {  	s24 =	sadd.s32 s5, s7;
	[dreg:$0x12] =	wrdreg s26;
	s6 =	sshrl.u32 s6, $0x3  }
0x18: {  	s7 =	simm.s32 $0xB;
	s26 =	simm.s32 $0x6C00;
	[dreg:$0xa] =	wrdreg s9  }
0x19: {  	s8 =	sadd.s32 s16, s8;
	[dreg:$0x10] =	wrdreg s24;
	s24 =	simm.s32 $0x5000  }
0x1a: {  	s9 =	simm.s32 $0x4;
	[dreg:$0x13] =	wrdreg s6;
	s18 =	sadd.s32 s17, s3  }
0x1b: {  	[dreg:$0xb] =	wrdreg s8;
	s8 =	sadd.s32 $0x19000, s8;
	s20 =	sshrl.u32 s18, $0x3  }
.Ltmp0:
0x1c: {  	[dreg:$0xc] =	wrdreg s8;
	s0 =	sadd.s32 s5, s20;
	(pc) =	sbr.rel .LBB2_1-.Ltmp0, $4  }
0x1d: {  	s3 =	sadd.s32 s3, s21;
	[dreg:$0xe] =	wrdreg s0;
	s0 =	sshrl.u32 s22, $0x3  }
0x1e: {  	s25 =	sshrl.u32 s3, $0x3;
	s8 =	simm.s32 $0x0;
	s0 =	sadd.s32 s5, s0  }
0x1f: {  	s22 =	simm.s32 $0x6;
	[dreg:$0xf] =	wrdreg s0;
	s0 =	sadd.s32 s5, s25  }
0x20: {  	s25 =	simm.s32 $0x3;
	[dreg:$0x11] =	wrdreg s0;
	s0 =	simm.s32 $0x5  }
.LBB2_10:
0x21: {  	_ =	swait.ge [sflag:s10], $0x1900  }
0x22: {  	[sflag:s10] =	ssyncset.done $0x0  }
0x23: {  	[sflag:s10] =	ssyncadd.s32 $0xFFFFE700  }
0x24: {  	[bflag:$0x0] =	sbarrier.arrive $0xFFFF  }
0x25: {  	s13 =	rddreg [dreg:$0x6]  }
0x26: {  	s3 =	rddreg [dreg:$0xe]  }
0x27: {  	s7 =	simm.s32 $0xB;
	s6 =	rddreg [dreg:$0x13]  }
0x28: {  	[hbm:s3], [sflag:s13] =	dma.local [spmem:s6], $0xC80  }
0x29: {  	_ =	swait.ge [sflag:s7], $0xC80  }
0x2a: {  	[sflag:s7] =	ssyncset.done $0x0;
	s18 =	rddreg [dreg:$0xf]  }
0x2b: {  	s5 =	rddreg [dreg:$0x15];
	[sflag:s7] =	ssyncadd.s32 $0xFFFFF380  }
0x2c: {  	[hbm:s18], [sflag:s13] =	dma.local [spmem:s5], $0xC80  }
0x2d: {  	_ =	swait.ge [sflag:s7], $0xC80  }
0x2e: {  	[sflag:s7] =	ssyncset.done $0x0;
	s19 =	rddreg [dreg:$0x10]  }
0x2f: {  	s20 =	rddreg [dreg:$0x16];
	[sflag:s7] =	ssyncadd.s32 $0xFFFFF380  }
0x30: {  	[hbm:s19], [sflag:s13] =	dma.local [spmem:s20], $0xC80  }
0x31: {  	_ =	swait.ge [sflag:s7], $0xC80  }
0x32: {  	[sflag:s7] =	ssyncset.done $0x0;
	s3 =	rddreg [dreg:$0x11]  }
0x33: {  	s5 =	rddreg [dreg:$0x17];
	[sflag:s7] =	ssyncadd.s32 $0xFFFFF380  }
0x34: {  	[hbm:s3], [sflag:s13] =	dma.local @!p0 [spmem:s5], $0xC80  }
0x35: {  	s3 =	simm.s32 @!p0 $0xB  }
0x36: {  	_ =	swait.ge @!p0 [sflag:s3], $0xC80  }
0x37: {  	s8 =	rddreg [dreg:$0x14]  }
0x38: {  	s21 =	rddreg [dreg:$0x12];
	s8 =	sadd.s32 $0x1, s8  }
0x39: {  	p1 =	sne.s32 s8, s21  }
.Ltmp1:
0x3a: {  	_ = 	snop;
	(pc) =	sbr.rel @!p1 .LBB2_11-.Ltmp1, $3  }
0x3b: {  	_ =	sdelay $0x1  }
0x3c: {  	[sflag:s3] =	ssyncset.done @!p0 $0x0  }
0x3d: {  	[sflag:s3] =	ssyncadd.s32 @!p0 $0xFFFFF380  }
.LBB2_1:
0x3e: {  	[dreg:$0x14] =	wrdreg s8  }
0x3f: {  	s3 =	rddreg [dreg:$0x5]  }
0x40: {  	[spmem:s6], [sflag:s13] =	dma.local [hbm:s3], $0xC80  }
0x41: {  	_ =	swait.ge [sflag:s7], $0xC80  }
0x42: {  	s5 =	rddreg [dreg:$0x8]  }
0x43: {  	[sflag:s7] =	ssyncset.done $0x0;
	s5 =	sshrl.u32 s5, $0x3  }
0x44: {  	[sflag:s7] =	ssyncadd.s32 $0xFFFFF380;
	[dreg:$0x15] =	wrdreg s5  }
0x45: {  	[spmem:s5], [sflag:s13] =	dma.local [hbm:s3], $0xC80  }
0x46: {  	_ =	swait.ge [sflag:s7], $0xC80  }
0x47: {  	s15 =	rddreg [dreg:$0x9]  }
0x48: {  	[sflag:s7] =	ssyncset.done $0x0;
	s5 =	sshrl.u32 s15, $0x3  }
0x49: {  	[sflag:s7] =	ssyncadd.s32 $0xFFFFF380;
	[dreg:$0x16] =	wrdreg s5  }
0x4a: {  	[spmem:s5], [sflag:s13] =	dma.local [hbm:s3], $0xC80  }
0x4b: {  	_ =	swait.ge [sflag:s7], $0xC80  }
0x4c: {  	s5 =	rddreg [dreg:$0xa]  }
0x4d: {  	[sflag:s7] =	ssyncset.done $0x0;
	s5 =	sshrl.u32 @!p0 s5, $0x3  }
0x4e: {  	[sflag:s7] =	ssyncadd.s32 $0xFFFFF380;
	[dreg:$0x17] =	wrdreg s5  }
0x4f: {  	[spmem:s5], [sflag:s13] =	dma.local @!p0 [hbm:s3], $0xC80  }
0x50: {  	s3 =	simm.s32 @!p0 $0xB  }
0x51: {  	_ =	swait.ge @!p0 [sflag:s3], $0xC80  }
0x52: {  	[sflag:s3] =	ssyncset.done @!p0 $0x0  }
0x53: {  	s16 =	simm.s32 $0x0;
	s17 =	rddreg [dreg:$0xb];
	[sflag:s3] =	ssyncadd.s32 @!p0 $0xFFFFF380  }
0x54: {  	[tilespmem:s16], [sflag:$0xB] =	stream.linear.gather [hbm4b:s17+s16], $0x1400, $0x38;
	[tilespmem:$0x1F880] =	vst v63  }
0x55: {  	_ =	swait.ge [sflag:s7], $0x1400  }
0x56: {  	[sflag:s7] =	ssyncset.done $0x0  }
0x57: {  	s19 =	simm.s32 $0x2800;
	s18 =	rddreg [dreg:$0xc];
	[sflag:s7] =	ssyncadd.s32 $0xFFFFEC00  }
0x58: {  	[tilespmem:s19], [sflag:$0xB] =	stream.linear.gather [hbm4b:s18+s16], $0x1400, $0x38;
	[tilespmem:$0x1F880] =	vst v63  }
0x59: {  	_ =	swait.ge [sflag:s7], $0x1400  }
0x5a: {  	[sflag:s7] =	ssyncset.done $0x0  }
0x5b: {  	[sflag:s7] =	ssyncadd.s32 $0xFFFFEC00  }
0x5c: {  	[tilespmem:s24], [sflag:$0x1] =	stream.indirect.gather [hbm4b:s1+s23], $0x80, s16, s23, $0xb8;
	[tilespmem:$0x1F880] =	vst v63  }
0x5d: {  	s20 =	simm.s32 $0x80  }
0x5e: {  	[tilespmem:s26], [sflag:$0x2] =	stream.indirect.gather [hbm4b:s1+s23], $0x80, s20, s23, $0xb8;
	[tilespmem:$0x1F880] =	vst v63  }
.Ltmp2:
0x5f: {  	_ = 	snop;
	(pc) =	sbr.rel .LBB2_3-.Ltmp2, $4  }
0x60: {  	s21 =	simm.s32 $0x100  }
0x61: {  	[tilespmem:s29], [sflag:$0x3] =	stream.indirect.gather [hbm4b:s1+s23], $0x80, s21, s23, $0xb8;
	[tilespmem:$0x1F880] =	vst v63  }
0x62: {  	[bflag:$0x0] =	sbarrier.arrive $0xFFFF  }
0x63: {  	s18 =	simm.s32 $0x0  }
.LBB2_2:
0x64: {  	s18 =	rddreg [dreg:$0x18]  }
0x65: {  	p1 =	seq.s32 s18, $0x5  }
.Ltmp3:
0x66: {  	_ = 	snop;
	(pc) =	sbr.rel @p1 .LBB2_10-.Ltmp3, $1  }
0x67: {  	_ =	sdelay $0x3  }
.LBB2_3:
0x68: {  	s5 =	sadd.s32 $0x1, s18;
	s6 =	rddreg [dreg:$0x7]  }
0x69: {  	s20 =	rddreg [dreg:$0x4];
	s3 =	smul.u32 $0x28, s5  }
0x6a: {  	[dreg:$0x18] =	wrdreg s5;
	s5 =	sand.u32 $0x1, s5  }
0x6b: {  	s8 =	sand.u32 $0x1, s18;
	s6 =	sadd.s32 s6, s3;
	s3 =	smul.u32 $0x1400, s5  }
0x6c: {  	s12 =	simm.s32 $0x1400;
	s21 =	rddreg [dreg:$0xd];
	s5 =	smul.u32 $0x5000, s5  }
.Ltmp4:
0x6d: {  	p1 =	seq.s32 s8, $0x1;
	s8 =	simm.s32 $0x0;
	(pc) =	sbr.rel .LBB2_4-.Ltmp4, $4  }
0x6e: {  	s12 =	simm.s32 @!p1 $0x0;
	p1 =	seq.s32 s18, $0x4;
	s7 =	sshll.u32 s6, $0x4  }
0x6f: {  	s20 =	sadd.s32 s20, s7;
	s6 =	sadd.s32 $0x2800, s3;
	s5 =	sshrl.u32 s5, $0x2  }
0x70: {  	s16 =	sadd.s32 s7, s21;
	s7 =	sor.u32 $0x2800, s12;
	s15 =	sor.u32 $0x80, s5  }
0x71: {  	[dreg:$0x19] =	wrdreg s5;
	s21 =	sor.u32 $0x100, s5;
	s5 =	simm.s32 $0x0  }
.LBB2_5:
0x72: {  	s19 =	sadd.s32 $0x400, s19  }
.LBB2_8:
0x73: {  	[tilespmem:s24], [sflag:$0x1] =	stream.indirect.gather [hbm4b:s1+s23], $0x80, s19, s23, $0xb8;
	[tilespmem:$0x1F880] =	vst v63  }
0x74: {  	p3 =	por p2, p2  }
.LBB2_9:
0x75: {  	_ =	swait.ge [sflag:s4], $0x1900  }
0x76: {  	[sflag:s4] =	ssyncset.done $0x0  }
0x77: {  	s11 =	sadd.s32 $0x280, s14;
	[sflag:s4] =	ssyncadd.s32 $0xFFFFE700  }
0x78: {  	[spmem:s2] =	stream.indirect.scatter.add.f32 [tilespmem:s26], [sflag:$0x6], $0x80, s11, s23, $0xb8;
	[tilespmem:$0x1F880] =	vst v63  }
0x79: {  	s11 =	sshra.s32 @!p2 s5, $0x2;
	_ =	swait.ge [sflag:s22], $0x1900  }
0x7a: {  	s13 =	simm.s32 @!p2 $0x32;
	s11 =	sadd.s32 @!p2 s11, s12;
	[sflag:s22] =	ssyncset.done $0x0  }
0x7b: {  	s17 =	simm.s32 @!p2 $0x6C00;
	s19 =	sadd.s32 @!p2 $0x480, s11;
	[sflag:s22] =	ssyncadd.s32 $0xFFFFE700  }
0x7c: {  	[tilespmem:s17], [sflag:$0x2] =	stream.indirect.gather @!p2 [hbm4b:s1+s13], $0x80, s19, s13, $0xb8;
	[tilespmem:$0x1F880] =	vst v63  }
0x7d: {  	s17 =	simm.s32 @p3 $0x32;
	s19 =	simm.s32 @p3 $0x6C00  }
0x7e: {  	[tilespmem:s19], [sflag:$0x2] =	stream.indirect.gather @p3 [hbm4b:s1+s17], $0x80, s15, s17, $0xb8;
	[tilespmem:$0x1F880] =	vst v63  }
0x7f: {  	_ =	swait.ge [sflag:s25], $0x1900  }
0x80: {  	[sflag:s25] =	ssyncset.done $0x0  }
0x81: {  	s19 =	sadd.s32 $0x300, s14;
	[sflag:s25] =	ssyncadd.s32 $0xFFFFE700  }
0x82: {  	[spmem:s2] =	stream.indirect.scatter.add.f32 [tilespmem:s29], [sflag:$0x7], $0x80, s19, s23, $0xb8;
	[tilespmem:$0x1F880] =	vst v63  }
0x83: {  	_ =	swait.ge [sflag:s28], $0x1900  }
0x84: {  	s5 =	sadd.s32 $0x1000, s5;
	[sflag:s28] =	ssyncset.done $0x0  }
0x85: {  	s11 =	sadd.s32 @!p2 $0x500, s11;
	s19 =	simm.s32 @!p2 $0x8800;
	[sflag:s28] =	ssyncadd.s32 $0xFFFFE700  }
0x86: {  	[tilespmem:s19], [sflag:$0x3] =	stream.indirect.gather @!p2 [hbm4b:s1+s13], $0x80, s11, s13, $0xb8;
	[tilespmem:$0x1F880] =	vst v63  }
0x87: {  	s11 =	simm.s32 @p3 $0x8800;
	p2 =	seq.s32 s5, $0x5000  }
0x88: {  	[tilespmem:s11], [sflag:$0x3] =	stream.indirect.gather @p3 [hbm4b:s1+s17], $0x80, s21, s17, $0xb8;
	[tilespmem:$0x1F880] =	vst v63  }
.Ltmp5:
0x89: {  	_ = 	snop;
	(pc) =	sbr.rel @p2 .LBB2_2-.Ltmp5, $4  }
0x8a: {  	_ =	swait.ge [sflag:s9], $0x1900  }
0x8b: {  	[sflag:s9] =	ssyncset.done $0x0  }
0x8c: {  	s8 =	sadd.s32 $0x1, s8;
	s19 =	sadd.s32 $0x380, s14;
	[sflag:s9] =	ssyncadd.s32 $0xFFFFE700  }
0x8d: {  	[spmem:s2] =	stream.indirect.scatter.add.f32 [tilespmem:s30], [sflag:$0x8], $0x80, s19, s23, $0xb8;
	[tilespmem:$0x1F880] =	vst v63  }
.LBB2_4:
0x8e: {  	s14 =	sor.u32 s18, s8  }
0x8f: {  	p2 =	seq.s32 s14, $0x0  }
0x90: {  	s14 =	simm.s32 @!p2 $0x8  }
0x91: {  	p3 =	sne.s32 @!p1 s5, $0x0;
	_ =	swait.ge @!p2 [sflag:s14], $0x1900  }
0x92: {  	p3 =	por p3, p1;
	[sflag:s14] =	ssyncset.done @!p2 $0x0  }
0x93: {  	s17 =	sshra.s32 s5, $0x2;
	[sflag:s14] =	ssyncadd.s32 @!p2 $0xFFFFE700;
	s14 =	simm.s32 @!p3 $0x0  }
0x94: {  	[tilespmem:s3], [sflag:$0x9] =	stream.linear.gather @!p3 [hbm4b:s20+s14], $0x1400, $0x38;
	[tilespmem:$0x1F880] =	vst v63  }
0x95: {  	s19 =	sadd.s32 s17, s12  }
0x96: {  	[tilespmem:s6], [sflag:$0xA] =	stream.linear.gather @!p3 [hbm4b:s16+s14], $0x1400, $0x38;
	[tilespmem:$0x1F880] =	vst v63  }
0x97: {  	s11 =	sadd.s32 $0x180, s19  }
0x98: {  	[tilespmem:s30], [sflag:$0x4] =	stream.indirect.gather [hbm4b:s1+s23], $0x80, s11, s23, $0xb8;
	[tilespmem:$0x1F880] =	vst v63  }
0x99: {  	_ =	swait.ge [sflag:s31], $0x1900  }
0x9a: {  	[sflag:s31] =	ssyncset.done $0x0  }
0x9b: {  	s14 =	sadd.s32 s17, s7;
	[sflag:s31] =	ssyncadd.s32 $0xFFFFE700  }
0x9c: {  	[spmem:s2] =	stream.indirect.scatter.add.f32 [tilespmem:s24], [sflag:$0x5], $0x80, s14, s23, $0xb8;
	[tilespmem:$0x1F880] =	vst v63  }
0x9d: {  	_ =	swait.ge [sflag:s0], $0x1900  }
0x9e: {  	[sflag:s0] =	ssyncset.done $0x0  }
0x9f: {  	s13 =	sadd.s32 $0x200, s19;
	[sflag:s0] =	ssyncadd.s32 $0xFFFFE700  }
0xa0: {  	[tilespmem:s24], [sflag:$0x1] =	stream.indirect.gather [hbm4b:s1+s23], $0x80, s13, s23, $0xb8;
	[tilespmem:$0x1F880] =	vst v63  }
0xa1: {  	_ =	swait.ge [sflag:s4], $0x1900  }
0xa2: {  	[sflag:s4] =	ssyncset.done $0x0  }
0xa3: {  	s17 =	sadd.s32 $0x80, s14;
	[sflag:s4] =	ssyncadd.s32 $0xFFFFE700  }
0xa4: {  	[spmem:s2] =	stream.indirect.scatter.add.f32 [tilespmem:s26], [sflag:$0x6], $0x80, s17, s23, $0xb8;
	[tilespmem:$0x1F880] =	vst v63  }
0xa5: {  	_ =	swait.ge [sflag:s22], $0x1900  }
0xa6: {  	[sflag:s22] =	ssyncset.done $0x0  }
0xa7: {  	s13 =	sadd.s32 $0x280, s19;
	[sflag:s22] =	ssyncadd.s32 $0xFFFFE700  }
0xa8: {  	[tilespmem:s26], [sflag:$0x2] =	stream.indirect.gather [hbm4b:s1+s23], $0x80, s13, s23, $0xb8;
	[tilespmem:$0x1F880] =	vst v63  }
0xa9: {  	_ =	swait.ge [sflag:s25], $0x1900  }
0xaa: {  	[sflag:s25] =	ssyncset.done $0x0  }
0xab: {  	s17 =	sadd.s32 $0x100, s14;
	[sflag:s25] =	ssyncadd.s32 $0xFFFFE700  }
0xac: {  	[spmem:s2] =	stream.indirect.scatter.add.f32 [tilespmem:s29], [sflag:$0x7], $0x80, s17, s23, $0xb8;
	[tilespmem:$0x1F880] =	vst v63  }
0xad: {  	_ =	swait.ge [sflag:s28], $0x1900  }
0xae: {  	[sflag:s28] =	ssyncset.done $0x0  }
0xaf: {  	s13 =	sadd.s32 $0x300, s19;
	[sflag:s28] =	ssyncadd.s32 $0xFFFFE700  }
0xb0: {  	[tilespmem:s29], [sflag:$0x3] =	stream.indirect.gather [hbm4b:s1+s23], $0x80, s13, s23, $0xb8;
	[tilespmem:$0x1F880] =	vst v63  }
0xb1: {  	_ =	swait.ge [sflag:s9], $0x1900  }
0xb2: {  	[sflag:s9] =	ssyncset.done $0x0  }
0xb3: {  	s17 =	sadd.s32 $0x180, s14;
	[sflag:s9] =	ssyncadd.s32 $0xFFFFE700  }
0xb4: {  	[spmem:s2] =	stream.indirect.scatter.add.f32 [tilespmem:s30], [sflag:$0x8], $0x80, s17, s23, $0xb8;
	[tilespmem:$0x1F880] =	vst v63  }
0xb5: {  	_ =	swait.ge [sflag:s10], $0x1900  }
0xb6: {  	[sflag:s10] =	ssyncset.done $0x0  }
0xb7: {  	s13 =	sadd.s32 $0x380, s19;
	[sflag:s10] =	ssyncadd.s32 $0xFFFFE700  }
0xb8: {  	[tilespmem:s30], [sflag:$0x4] =	stream.indirect.gather [hbm4b:s1+s23], $0x80, s13, s23, $0xb8;
	[tilespmem:$0x1F880] =	vst v63  }
0xb9: {  	_ =	swait.ge [sflag:s31], $0x1900  }
0xba: {  	p2 =	seq.s32 s5, $0x4000;
	[sflag:s31] =	ssyncset.done $0x0  }
.Ltmp6:
0xbb: {  	s17 =	sadd.s32 $0x200, s14;
	[sflag:s31] =	ssyncadd.s32 $0xFFFFE700;
	(pc) =	sbr.rel @!p2 .LBB2_5-.Ltmp6, $4  }
0xbc: {  	[spmem:s2] =	stream.indirect.scatter.add.f32 [tilespmem:s24], [sflag:$0x5], $0x80, s17, s23, $0xb8;
	[tilespmem:$0x1F880] =	vst v63  }
0xbd: {  	_ =	swait.ge [sflag:s0], $0x1900  }
0xbe: {  	[sflag:s0] =	ssyncset.done $0x0  }
0xbf: {  	[sflag:s0] =	ssyncadd.s32 $0xFFFFE700  }
.Ltmp7:
0xc0: {  	(pc) =	sbr.rel @p1 .LBB2_9-.Ltmp7, $2  }
0xc1: {  	_ =	sdelay $0x2  }
0xc2: {  	p3 =	por $0x0, $0x0  }
0xc3: {  	s11 =	simm.s32 $0x9  }
0xc4: {  	_ =	swait.ge [sflag:s11], $0x1400  }
.Ltmp8:
0xc5: {  	[sflag:s11] =	ssyncset.done $0x0;
	(pc) =	sbr.rel .LBB2_8-.Ltmp8, $4  }
0xc6: {  	s19 =	simm.s32 $0xA;
	[sflag:s11] =	ssyncadd.s32 $0xFFFFEC00  }
0xc7: {  	_ =	swait.ge [sflag:s19], $0x1400  }
0xc8: {  	[sflag:s19] =	ssyncset.done $0x0  }
0xc9: {  	[sflag:s19] =	ssyncadd.s32 $0xFFFFEC00;
	s19 =	rddreg [dreg:$0x19]  }
.LBB2_11:
0xca: {  	_ =	sfence.sel $0x180000  }
0xcb: {  	[bflag:$0x0] =	sbarrier.arrive $0xFFFF  }
0xcc: {  	_ =	strace $0x9000004A  }
0xcd: {  	s0 =	stileid.u32;
	[bflag:$0x2] =	sbarrier.arrive $0xFFFF  }
0xce: {  	p0 =	sne.s32 s0, $0x0;
	s0 =	rddreg [dreg:$0x3]  }
0xcf: {  	s0 =	sadd.s32 @!p0 $0x100000, s0  }
0xd0: {  	[sflag:s0] =	ssyncadd.tile.s32 @!p0 $0x1;
	_ =	shalt  }
.Lfunc_end2:
_tile_overlayer_lowered:
.L_overlay_start_2:
0xd1: {  	(tag) =	ssettag $0x2  }
0xd2: {  	s0 =	rddreg [dreg:$0x0];
	s2 =	stileid.u32  }
0xd3: {  	s1 =	rddreg [dreg:$0x1];
	p0 =	sne.s32 s2, $0x0  }
0xd4: {  	s3 =	rddreg [dreg:$0x2];
	[bflag:$0x3] =	sbarrier.arrive $0xFFFF;
	s2 =	simm.s32 @!p0 $0x1C0B  }
0xd5: {  	[timem:s3], [sflag:s2] =	dma.local @!p0 [hbm:s0], s1  }
0xd6: {  	s0 =	simm.s32 @!p0 $0xB  }
0xd7: {  	_ =	swait.ge @!p0 [sflag:s0], s1  }
0xd8: {  	s1 =	ssub.s32 @!p0 $0x0, s1;
	[sflag:s0] =	ssyncset.done @!p0 $0x0  }
0xd9: {  	[sflag:s0] =	ssyncadd.s32 @!p0 s1  }
0xda: {  	[bflag:$0x3] =	sbarrier.arrive $0xFFFF  }
0xdb: {  	_ =	shalt  }

// kernel: kernel.7.cloned.1.call-start
scs
__scs_entry_jumppad:
0x0: {  	(pc) =	sbr.rel $0x88, $3  }
0x1: {  	(tag) =	ssettag $0x0;
	lr =	simm.s32 $0x1  }
0x2: {  	[smem:$0x3F9D] =	sst lr;
	_ =	strace $0xD0000000  }
0x3: {  	_ = 	snop  }
0x4: {  	_ = 	snop  }
0x5: {  	_ = 	snop  }
0x6: {  	_ = 	snop  }
0x7: {  	_ = 	snop  }
__scs_overlays_trampoline_lowered:
0x8: {  	[smem:$0x3FAC] =	sst s0  }
0x9: {  	[smem:$0x3FAD] =	sst s1  }
0xa: {  	[smem:$0x3FAE] =	sst s2  }
0xb: {  	[smem:$0x3FAF] =	sst s3  }
0xc: {  	[smem:$0x3FB0] =	sst s4  }
0xd: {  	[smem:$0x3FB1] =	sst s5  }
0xe: {  	[smem:$0x3FB2] =	sst s6  }
0xf: {  	[smem:$0x3FB3] =	sst s7  }
0x10: {  	[smem:$0x3FB4] =	sst s8  }
0x11: {  	[smem:$0x3FB5] =	sst s9;
	s0 =	simm.s32 @!p0 $0x0  }
0x12: {  	s1 =	sld [smem:$0x3F9B];
	s0 =	simm.s32 @p0 $0x1  }
0x13: {  	[smem:$0x3FB6] =	sst s0;
	s0 =	simm.s32 @!p1 $0x0  }
0x14: {  	s2 =	sld [smem:$0x3F9A];
	s0 =	simm.s32 @p1 $0x1  }
0x15: {  	[smem:$0x3FB7] =	sst s0;
	s0 =	simm.s32 @!p2 $0x0  }
0x16: {  	s3 =	sld [smem:$0x3FDB];
	s0 =	simm.s32 @p2 $0x1  }
0x17: {  	s4 =	simm.s32 $0x1BF5;
	[smem:$0x3FB9] =	sst s0  }
0x18: {  	s0 =	sld [smem:$0x3F9C];
	_ =	swait.ge [sflag:s4], $0x0  }
0x19: {  	s7 =	sld [smem:$0x3F9D]  }
0x1a: {  	s8 =	sadd.s32 $0xFFFFE003, lr  }
0x1b: {  	s9 =	sadd.s32 $0xFFFFFEF7, lr;
	s5 =	simm.s32 $0xFFFFFFFF;
	p2 =	slt.u32 s8, $0xFFFFF086  }
0x1c: {  	p1 =	slt.u32 s9, $0xF7A;
	s5 =	simm.s32 @!p2 $0x0  }
0x1d: {  	s5 =	simm.s32 @p1 $0x1;
	p0 =	seq.s32 s7, s2  }
0x1e: {  	s7 =	smul.u32 @!p0 $0xF7A, s2;
	p2 =	seq.s32 @!p0 s5, $0x0  }
0x1f: {  	s9 =	smul.u32 $0xF7A, s1;
	s8 =	simm.s32 @!p0 $0x1BF5;
	p2 =	por !p2, p0  }
0x20: {  	[sflag:s8] =	ssyncset.s32 @!p0 $0xFFFFF086;
	s6 =	sadd.s32 @!p0 s3, s7;
	s7 =	simm.s32 @!p0 $0x108  }
0x21: {  	s3 =	sadd.s32 s3, s9;
	s6 =	sadd.s32 @!p0 $0x88, s6;
	s7 =	simm.s32 @p2 $0x1082  }
0x22: {  	[simem:s7], [sflag:s8] =	dma.local @!p0 [hbm:s6], $0xF7A  }
0x23: {  	s9 =	sor.u32 $0xD0000000, s2;
	s6 =	simm.s32 $0x108;
	_ =	swait.ge @!p0 [sflag:s8], $0x0  }
0x24: {  	s3 =	sadd.s32 $0x88, s3;
	s6 =	simm.s32 @!p1 $0x1082;
	[sflag:s4] =	ssyncset.s32 $0xFFFFF086  }
0x25: {  	[simem:s6], [sflag:s4] =	dma.local [hbm:s3], $0xF7A  }
0x26: {  	[smem:$0x3F9D] =	sst s1;
	(tag) =	ssettag s2;
	_ =	strace s9  }
0x27: {  	s1 =	sld [smem:$0x3FAD]  }
0x28: {  	s2 =	sld [smem:$0x3FAE]  }
0x29: {  	s4 =	sld [smem:$0x3FB0]  }
0x2a: {  	p0 =	seq.s32 s5, $0x0;
	s5 =	sld [smem:$0x3FB1]  }
0x2b: {  	s6 =	sld [smem:$0x3FB2]  }
0x2c: {  	s7 =	sld [smem:$0x3FB3]  }
0x2d: {  	s3 =	simm.s32 $0x108;
	s8 =	sld [smem:$0x3FB4]  }
0x2e: {  	s3 =	simm.s32 @!p0 $0x1082;
	s9 =	sld [smem:$0x3FB5]  }
0x2f: {  	lr =	sadd.s32 s0, s3;
	s0 =	sld [smem:$0x3FAC]  }
0x30: {  	s3 =	sld [smem:$0x3FAF]  }
0x31: {  	[smem:$0x3FB8] =	sst s10  }
0x32: {  	s10 =	sld [smem:$0x3FB6];
	_ =	sdelay $0x3  }
0x33: {  	p0 =	seq.s32 s10, $0x1;
	s10 =	sld [smem:$0x3FB8];
	_ =	sdelay $0x3  }
0x34: {  	[smem:$0x3FB8] =	sst s10  }
0x35: {  	s10 =	sld [smem:$0x3FB7];
	_ =	sdelay $0x3  }
0x36: {  	p1 =	seq.s32 s10, $0x1;
	s10 =	sld [smem:$0x3FB8];
	_ =	sdelay $0x3  }
0x37: {  	[smem:$0x3FB8] =	sst s10  }
0x38: {  	s10 =	sld [smem:$0x3FB9]  }
0x39: {  	_ = 	snop;
	(pc) =	sbr.ind lr, $3  }
0x3a: {  	_ = 	snop  }
0x3b: {  	_ = 	snop  }
0x3c: {  	p2 =	seq.s32 s10, $0x1;
	s10 =	sld [smem:$0x3FB8]  }
0x3d: {  	_ =	shalt  }
0x3e: {  	_ =	shalt  }
0x3f: {  	_ =	shalt  }
0x40: {  	_ =	shalt  }
0x41: {  	_ =	shalt  }
0x42: {  	_ =	shalt  }
0x43: {  	_ =	shalt  }
0x44: {  	_ =	shalt  }
0x45: {  	_ =	shalt  }
0x46: {  	_ =	shalt  }
0x47: {  	_ =	shalt  }
0x48: {  	_ =	shalt  }
0x49: {  	_ =	shalt  }
0x4a: {  	_ =	shalt  }
0x4b: {  	_ =	shalt  }
0x4c: {  	_ =	shalt  }
0x4d: {  	_ =	shalt  }
0x4e: {  	_ =	shalt  }
0x4f: {  	_ =	shalt  }
0x50: {  	_ =	shalt  }
0x51: {  	_ =	shalt  }
0x52: {  	_ =	shalt  }
0x53: {  	_ =	shalt  }
0x54: {  	_ =	shalt  }
0x55: {  	_ =	shalt  }
0x56: {  	_ =	shalt  }
0x57: {  	_ =	shalt  }
0x58: {  	_ =	shalt  }
0x59: {  	_ =	shalt  }
0x5a: {  	_ =	shalt  }
0x5b: {  	_ =	shalt  }
0x5c: {  	_ =	shalt  }
0x5d: {  	_ =	shalt  }
0x5e: {  	_ =	shalt  }
0x5f: {  	_ =	shalt  }
0x60: {  	_ =	shalt  }
0x61: {  	_ =	shalt  }
0x62: {  	_ =	shalt  }
0x63: {  	_ =	shalt  }
0x64: {  	_ =	shalt  }
0x65: {  	_ =	shalt  }
0x66: {  	_ =	shalt  }
0x67: {  	_ =	shalt  }
0x68: {  	_ =	shalt  }
0x69: {  	_ =	shalt  }
0x6a: {  	_ =	shalt  }
0x6b: {  	_ =	shalt  }
0x6c: {  	_ =	shalt  }
0x6d: {  	_ =	shalt  }
0x6e: {  	_ =	shalt  }
0x6f: {  	_ =	shalt  }
0x70: {  	_ =	shalt  }
0x71: {  	_ =	shalt  }
0x72: {  	_ =	shalt  }
0x73: {  	_ =	shalt  }
0x74: {  	_ =	shalt  }
0x75: {  	_ =	shalt  }
0x76: {  	_ =	shalt  }
0x77: {  	_ =	shalt  }
0x78: {  	_ =	shalt  }
0x79: {  	_ =	shalt  }
0x7a: {  	_ =	shalt  }
0x7b: {  	_ =	shalt  }
0x7c: {  	_ =	shalt  }
0x7d: {  	_ =	shalt  }
0x7e: {  	_ =	shalt  }
0x7f: {  	_ =	shalt  }
0x80: {  	_ =	shalt  }
0x81: {  	_ =	shalt  }
0x82: {  	_ =	shalt  }
0x83: {  	_ =	shalt  }
0x84: {  	_ =	shalt  }
0x85: {  	_ =	shalt  }
0x86: {  	_ =	shalt  }
0x87: {  	_ =	shalt  }
.Lfunc_end0:
.L_simem_size_0:
called_computation_lowered:
.L_overlay_start_0:
0x88: {  	s2 =	sld [smem:$0x3FD9]  }
0x89: {  	s3 =	sld [smem:$0x3FFE];
	_ =	sdelay $0x1  }
0x8a: {  	s1 =	srdreg.scid  }
0x8b: {  	s0 =	sand.u32 $0x1, s1  }
0x8c: {  	s17 =	sshll.u32 s0, $0xA;
	s2 =	sadd.s32 s3, s2  }
0x8d: {  	s2 =	sadd.s32 s2, s17  }
0x8e: {  	[smem:$0x3FC4] =	sst s2  }
0x8f: {  	_ = 	snop  }
0x90: {  	s2 =	sld [smem:$0x3FD0];
	(tm) =	ssettm $0x1  }
0x91: {  	s18 =	sld [smem:$0x3FFB];
	_ =	sdelay $0x3  }
0x92: {  	_ =	strace s18  }
0x93: {  	s3 =	sld [smem:$0x3FFC];
	_ =	sdelay $0x3  }
0x94: {  	_ =	strace s3  }
0x95: {  	s3 =	sld [smem:$0x3FFD];
	_ =	sdelay $0x3  }
0x96: {  	_ =	strace s3  }
0x97: {  	_ =	strace $0x8FFFFFFF  }
0x98: {  	s19 =	sld [smem:$0x3FDB];
	_ =	sdelay $0x1  }
0x99: {  	s4 =	simm.s32 $_scs_section_size  }
0x9a: {  	s5 =	simm.s32 $_size__tile_overlayer_lowered;
	s6 =	simm.s32 $_tile_overlayer_lowered  }
0x9b: {  	s22 =	simm.s32 $0x1BFF;
	s21 =	sshll.u32 s6, $0x1;
	s3 =	sadd.s32 s4, s19  }
0x9c: {  	s7 =	simm.s32 $0x0;
	s20 =	sshll.u32 s5, $0x1;
	s5 =	sadd.s32 s21, s3  }
0x9d: {  	[timem:s7], [sflag:s22] =	dma.local [hbm:s5], s20  }
0x9e: {  	_ =	swait.ge [sflag:s22], s20  }
0x9f: {  	s4 =	ssub.s32 $0x0, s20;
	[sflag:s22] =	ssyncset.done $0x0  }
0xa0: {  	[sflag:s22] =	ssyncadd.s32 s4;
	_ =	sdelay $0x1  }
0xa1: {  	s23 =	simm.s32 $0x1B8B  }
0xa2: {  	_ =	swait.ge [sflag:s23], $0x1  }
0xa3: {  	[sflag:s23] =	ssyncset.done $0x0  }
0xa4: {  	s25 =	simm.s32 $0x1B8E;
	s24 =	sld [smem:$0x3FFE];
	[sflag:s23] =	ssyncadd.s32 $0xFFFFFFFF  }
0xa5: {  	s26 =	simm.s32 $execute0_lowered;
	[smem:$0x3FD2] =	sst s25  }
0xa6: {  	s5 =	sshll.u32 s26, $0x1;
	_ =	strace $0x80000046;
	[dreg:$0x1] =	wrdreg $0xFFFFFFFF  }
0xa7: {  	s28 =	simm.s32 $_size_execute0_lowered;
	s3 =	sadd.s32 s3, s5;
	[dreg:$0x0] =	wrdreg $0x0  }
0xa8: {  	s5 =	sshll.u32 s28, $0x1;
	[dreg:$0x2] =	wrdreg s3  }
0xa9: {  	[dreg:$0x3] =	wrdreg s5  }
0xaa: {  	[dreg:$0x4] =	wrdreg $0xC0  }
0xab: {  	_ =	task [dreg:s7], $0x5FFFF  }
0xac: {  	[dreg:$0x1] =	wrdreg $0xFFFFFFFF  }
0xad: {  	[dreg:$0x0] =	wrdreg $0x60  }
0xae: {  	[dreg:$0x2] =	wrdreg s2  }
0xaf: {  	[dreg:$0x3] =	wrdreg s24  }
0xb0: {  	[dreg:$0x4] =	wrdreg $0x50000  }
0xb1: {  	[dreg:$0x5] =	wrdreg $0x52800  }
0xb2: {  	[dreg:$0x6] =	wrdreg $0x9  }
0xb3: {  	_ =	task.clear_ibuf [dreg:s7], $0x7FFFF;
	_ =	strace $0x90000046  }
0xb4: {  	s29 =	simm.s32 $0x9;
	_ =	strace $0x80000048  }
0xb5: {  	_ =	swait.ge [sflag:s29], $0x1  }
0xb6: {  	[sflag:s29] =	ssyncadd.s32 $0xFFFFFFFF  }
0xb7: {  	_ =	strace $0x90000048  }
0xb8: {  	_ =	sfence  }
0xb9: {  	s30 =	sld [smem:$0x0];
	_ =	sdelay $0x2  }
0xba: {  	s31 =	sshll.u32 s1, $0xD;
	s1 =	sshrl.u32 s1, $0x2  }
0xbb: {  	s3 =	sand.u32 $0x4000, s31;
	s1 =	sadd.s32 s1, s30  }
0xbc: {  	s0 =	sor.u32 s3, s0;
	s1 =	sshll.u32 s1, $0x11  }
0xbd: {  	s0 =	sor.u32 s1, s0  }
0xbe: {  	s0 =	sadd.s32 $0x8F2B, s0  }
0xbf: {  	[sflag:s0] =	ssyncadd.remote.s32 $0x1  }
0xc0: {  	_ =	sfence.sel $0xFFFF  }
0xc1: {  	[dreg:$0x0] =	wrdreg $0xFFFFFFFF;
	(pc) =	sbr.abs _section_cstart, $3  }
0xc2: {  	[dreg:$0x1] =	wrdreg $0xFFFFFFFF  }
0xc3: {  	_ =	task.clear_ibuf [dreg:s7], $0x2FFFF;
	_ =	strace $0x9FFFFFFF  }
0xc4: {  	(tm) =	ssettm $0x7FFFFFFF  }
0xc5: {  	_ =	shalt  }
tec
execute0_lowered:
.L_overlay_start_1:
0x0: {  	(tag) =	ssettag $0x1  }
0x1: {  	s4 =	rddreg [dreg:$0x0]  }
0x2: {  	s5 =	rddreg [dreg:$0x1]  }
0x3: {  	s1 =	rddreg [dreg:$0x2];
	s0 =	srdreg.scid  }
0x4: {  	s2 =	rddreg [dreg:$0x3];
	s9 =	stileid.u32;
	s3 =	simm.s32 $0x0  }
0x5: {  	s11 =	simm.s32 $0x50;
	s6 =	sand.u32 $0x1, s0;
	s0 =	rddreg [dreg:$0x4]  }
0x6: {  	s12 =	simm.s32 $0x4F80;
	[smem:$0x7FF] =	sst s3;
	s7 =	sshll.u32 s6, $0x4  }
0x7: {  	p0 =	sne.s32 s9, $0x0;
	s8 =	smul.u32 $0x500, s6;
	s7 =	sor.u32 s9, s7  }
0x8: {  	_ =	strace $0x80000047;
	s6 =	ssub.s32 $0x2, s6;
	s7 =	smul.u32 $0x2710, s7  }
0x9: {  	s13 =	sshrl.u32 @!p0 s1, $0x3;
	s31 =	sshrl.u32 s6, $0x1;
	s9 =	simm.s32 $0x1  }
0xa: {  	v0 =	vlaneseq.u32;
	s8 =	sadd.s32 s8, s5;
	s10 =	ssub.s32 s6, s31;
	s7 =	sshrl.u32 s7, $0x3  }
0xb: {  	v1 =	vimm.f32 $0.0e+00;
	v6 =	vimm.f32 $1.000000000e+00;
	v2 =	vor.u32 $0x10, v0;
	s5 =	sadd.s32 $0x2400, s8;
	s4 =	sadd.s32 s4, s7;
	s7 =	sadd.s32 $0x2E00, s8  }
0xc: {  	v3 =	vor.u32 $0x20, v0;
	v4 =	vor.u32 $0x30, v0;
	v5 =	vor.u32 $0x40, v0;
	s8 =	smax.u32 s10, $0x1;
	s10 =	simm.s32 $0x2780;
	s6 =	sadd.s32 $0x9C40, s4  }
.LBB2_1:
0xd: {  	s14 =	simm.s32 $0x0;
	s15 =	simm.s32 $0x200  }
.LBB2_2:
0xe: {  	p1 =	sne.s32 s15, $0x9E00;
	[tilespmem:s14+$0x27F0] =	vst v1  }
0xf: {  	[tilespmem:s14+$0x2780] =	vst v1  }
0x10: {  	[tilespmem:s14+$0x2790] =	vst v1  }
.Ltmp0:
0x11: {  	[tilespmem:s14+$0x27A0] =	vst v1;
	(pc) =	sbr.rel @p1 .LBB2_2-.Ltmp0, $4  }
0x12: {  	[tilespmem:s14+$0x27B0] =	vst v1  }
0x13: {  	[tilespmem:s14+$0x27C0] =	vst v1  }
0x14: {  	[tilespmem:s14+$0x27D0] =	vst v1  }
0x15: {  	[tilespmem:s14+$0x27E0] =	vst v1;
	s14 =	sshra.s32 s15, $0x2;
	s15 =	sadd.s32 $0x200, s15  }
0x16: {  	[tilespmem:s14+$0x27F0] =	vst v1  }
0x17: {  	[tilespmem:s14+$0x2780] =	vst v1  }
0x18: {  	[tilespmem:s14+$0x2790] =	vst v1  }
0x19: {  	[tilespmem:s14+$0x27A0] =	vst v1  }
0x1a: {  	[tilespmem:s14+$0x27B0] =	vst v1  }
0x1b: {  	[tilespmem:s14+$0x27C0] =	vst v1  }
0x1c: {  	[tilespmem:s14+$0x27D0] =	vst v1  }
0x1d: {  	[tilespmem:s14+$0x27E0] =	vst v1  }
0x1e: {  	[tilespmem:$0x4F80] =	vst v0  }
0x1f: {  	[tilespmem:$0x4F90] =	vst v2  }
0x20: {  	[tilespmem:$0x4FA0] =	vst v3  }
0x21: {  	[tilespmem:$0x4FB0] =	vst v4  }
0x22: {  	s14 =	simm.s32 @!p0 $0x2780;
	s15 =	simm.s32 @!p0 $0x1;
	[tilespmem:$0x4FC0] =	vst v5  }
0x23: {  	[spmem:s1] =	stream.linear.scatter @!p0 [tilespmem:s14], [sflag:$0x1], $0x2800, $0x38;
	[tilespmem:$0x5500] =	vst v63  }
0x24: {  	_ =	swait.ge @!p0 [sflag:s15], $0x2800  }
0x25: {  	[sflag:s15] =	ssyncset.done @!p0 $0x0  }
0x26: {  	[sflag:s15] =	ssyncadd.s32 @!p0 $0xFFFFD800  }
0x27: {  	[spmem:s2] =	stream.linear.scatter @!p0 [tilespmem:s14], [sflag:$0x1], $0x2800, $0x38;
	[tilespmem:$0x5500] =	vst v63  }
0x28: {  	_ =	swait.ge @!p0 [sflag:s15], $0x2800  }
0x29: {  	[sflag:s15] =	ssyncset.done @!p0 $0x0  }
0x2a: {  	[sflag:s15] =	ssyncadd.s32 @!p0 $0xFFFFD800  }
0x2b: {  	s14 =	simm.s32 $0x0;
	[bflag:$0x0] =	sbarrier.arrive $0xFFFF  }
0x2c: {  	[tilespmem:s14], [sflag:$0x1] =	stream.linear.gather [hbm4b:s4+s14], $0x2710, $0x38;
	[tilespmem:$0x5500] =	vst v63  }
0x2d: {  	_ =	swait.ge [sflag:s9], $0x2710  }
0x2e: {  	[sflag:s9] =	ssyncset.done $0x0  }
0x2f: {  	[sflag:s9] =	ssyncadd.s32 $0xFFFFD8F0  }
.LBB2_4:
0x30: {  	s15 =	sshra.s32 s14, $0x2  }
0x31: {  	v7 =	vld [tilespmem:s15+$0x0];
	_ =	sdelay $0x7  }
0x32: {  	[tilespmem:v7+s10+$0x0] =	vst.idx.add.f32.msk $0xffff, v6  }
0x33: {  	v7 =	vld [tilespmem:s15+$0x10];
	_ =	sdelay $0x7  }
0x34: {  	[tilespmem:v7+s10+$0x0] =	vst.idx.add.f32.msk $0xffff, v6  }
0x35: {  	v7 =	vld [tilespmem:s15+$0x20];
	_ =	sdelay $0x7  }
0x36: {  	[tilespmem:v7+s10+$0x0] =	vst.idx.add.f32.msk $0xffff, v6  }
0x37: {  	v7 =	vld [tilespmem:s15+$0x30];
	_ =	sdelay $0x7  }
0x38: {  	[tilespmem:v7+s10+$0x0] =	vst.idx.add.f32.msk $0xffff, v6  }
0x39: {  	v7 =	vld [tilespmem:s15+$0x40];
	_ =	sdelay $0x2  }
0x3a: {  	p1 =	sne.s32 s14, $0x9B00  }
.Ltmp1:
0x3b: {  	_ = 	snop;
	(pc) =	sbr.rel @p1 .LBB2_4-.Ltmp1, $2  }
0x3c: {  	_ =	sdelay $0x2  }
0x3d: {  	s14 =	sadd.s32 $0x140, s14;
	[tilespmem:v7+s10+$0x0] =	vst.idx.add.f32.msk $0xffff, v6  }
0x3e: {  	[spmem:s1] =	stream.indirect.scatter.add.f32 [tilespmem:s10], [sflag:$0x1], $0x80, s12, s11, $0xb8;
	[tilespmem:$0x5500] =	vst v63  }
0x3f: {  	_ =	swait.ge [sflag:s9], $0x2800  }
0x40: {  	[sflag:s9] =	ssyncset.done $0x0  }
0x41: {  	s14 =	simm.s32 $0x0;
	s15 =	simm.s32 $0x200;
	[sflag:s9] =	ssyncadd.s32 $0xFFFFD800  }
.LBB2_6:
0x42: {  	p1 =	sne.s32 s15, $0x9E00;
	[tilespmem:s14+$0x27F0] =	vst v1  }
0x43: {  	[tilespmem:s14+$0x2780] =	vst v1  }
0x44: {  	[tilespmem:s14+$0x2790] =	vst v1  }
.Ltmp2:
0x45: {  	[tilespmem:s14+$0x27A0] =	vst v1;
	(pc) =	sbr.rel @p1 .LBB2_6-.Ltmp2, $4  }
0x46: {  	[tilespmem:s14+$0x27B0] =	vst v1  }
0x47: {  	[tilespmem:s14+$0x27C0] =	vst v1  }
0x48: {  	[tilespmem:s14+$0x27D0] =	vst v1  }
0x49: {  	[tilespmem:s14+$0x27E0] =	vst v1;
	s14 =	sshra.s32 s15, $0x2;
	s15 =	sadd.s32 $0x200, s15  }
0x4a: {  	[tilespmem:s14+$0x27F0] =	vst v1  }
0x4b: {  	[tilespmem:s14+$0x2780] =	vst v1  }
0x4c: {  	[tilespmem:s14+$0x2790] =	vst v1  }
0x4d: {  	[tilespmem:s14+$0x27A0] =	vst v1  }
0x4e: {  	[tilespmem:s14+$0x27B0] =	vst v1  }
0x4f: {  	[tilespmem:s14+$0x27C0] =	vst v1  }
0x50: {  	[tilespmem:s14+$0x27D0] =	vst v1  }
0x51: {  	[tilespmem:s14+$0x27E0] =	vst v1  }
0x52: {  	s14 =	simm.s32 @!p0 $0x1C01;
	[bflag:$0x0] =	sbarrier.arrive $0xFFFF  }
0x53: {  	[hbm:s5], [sflag:s14] =	dma.local @!p0 [spmem:s13], $0x500  }
0x54: {  	s14 =	simm.s32 @!p0 $0x1  }
0x55: {  	_ =	swait.ge @!p0 [sflag:s14], $0x500  }
0x56: {  	[sflag:s14] =	ssyncset.done @!p0 $0x0  }
0x57: {  	[sflag:s14] =	ssyncadd.s32 @!p0 $0xFFFFFB00;
	s14 =	simm.s32 $0x0  }
0x58: {  	[tilespmem:s14], [sflag:$0x1] =	stream.linear.gather [hbm4b:s6+s14], $0x2710, $0x38;
	[tilespmem:$0x5500] =	vst v63  }
0x59: {  	_ =	swait.ge [sflag:s9], $0x2710  }
0x5a: {  	[sflag:s9] =	ssyncset.done $0x0  }
0x5b: {  	[sflag:s9] =	ssyncadd.s32 $0xFFFFD8F0  }
.LBB2_8:
0x5c: {  	s15 =	sshra.s32 s14, $0x2  }
0x5d: {  	v7 =	vld [tilespmem:s15+$0x0];
	_ =	sdelay $0x7  }
0x5e: {  	[tilespmem:v7+s10+$0x0] =	vst.idx.add.f32.msk $0xffff, v6  }
0x5f: {  	v7 =	vld [tilespmem:s15+$0x10];
	_ =	sdelay $0x7  }
0x60: {  	[tilespmem:v7+s10+$0x0] =	vst.idx.add.f32.msk $0xffff, v6  }
0x61: {  	v7 =	vld [tilespmem:s15+$0x20];
	_ =	sdelay $0x7  }
0x62: {  	[tilespmem:v7+s10+$0x0] =	vst.idx.add.f32.msk $0xffff, v6  }
0x63: {  	v7 =	vld [tilespmem:s15+$0x30];
	_ =	sdelay $0x7  }
0x64: {  	[tilespmem:v7+s10+$0x0] =	vst.idx.add.f32.msk $0xffff, v6  }
0x65: {  	v7 =	vld [tilespmem:s15+$0x40];
	_ =	sdelay $0x2  }
0x66: {  	p1 =	sne.s32 s14, $0x9B00  }
.Ltmp3:
0x67: {  	_ = 	snop;
	(pc) =	sbr.rel @p1 .LBB2_8-.Ltmp3, $2  }
0x68: {  	_ =	sdelay $0x2  }
0x69: {  	s14 =	sadd.s32 $0x140, s14;
	[tilespmem:v7+s10+$0x0] =	vst.idx.add.f32.msk $0xffff, v6  }
0x6a: {  	[spmem:s2] =	stream.indirect.scatter.add.f32 [tilespmem:s10], [sflag:$0x1], $0x80, s12, s11, $0xb8;
	[tilespmem:$0x5500] =	vst v63  }
0x6b: {  	_ =	swait.ge [sflag:s9], $0x2800  }
0x6c: {  	[sflag:s9] =	ssyncset.done $0x0  }
0x6d: {  	s14 =	sshrl.u32 @!p0 s2, $0x3;
	s3 =	sadd.s32 $0x1, s3;
	[sflag:s9] =	ssyncadd.s32 $0xFFFFD800  }
0x6e: {  	s15 =	simm.s32 @!p0 $0x1C01;
	p1 =	sne.s32 s3, s8;
	[bflag:$0x0] =	sbarrier.arrive $0xFFFF  }
0x6f: {  	[hbm:s7], [sflag:s15] =	dma.local @!p0 [spmem:s14], $0x500  }
.Ltmp4:
0x70: {  	_ = 	snop;
	(pc) =	sbr.rel @p1 .LBB2_1-.Ltmp4, $4  }
0x71: {  	s14 =	simm.s32 @!p0 $0x1  }
0x72: {  	_ =	swait.ge @!p0 [sflag:s14], $0x500  }
0x73: {  	[sflag:s14] =	ssyncset.done @!p0 $0x0  }
0x74: {  	[sflag:s14] =	ssyncadd.s32 @!p0 $0xFFFFFB00  }
0x75: {  	_ =	sfence.sel $0x180000  }
0x76: {  	[bflag:$0x0] =	sbarrier.arrive $0xFFFF  }
0x77: {  	_ =	strace $0x90000047  }
0x78: {  	s0 =	sadd.s32 @!p0 $0x100000, s0;
	[bflag:$0x2] =	sbarrier.arrive $0xFFFF  }
0x79: {  	[sflag:s0] =	ssyncadd.tile.s32 @!p0 $0x1;
	_ =	shalt  }
.Lfunc_end2:
_tile_overlayer_lowered:
.L_overlay_start_2:
0x7a: {  	(tag) =	ssettag $0x2  }
0x7b: {  	s0 =	rddreg [dreg:$0x0];
	s2 =	stileid.u32  }
0x7c: {  	s1 =	rddreg [dreg:$0x1];
	p0 =	sne.s32 s2, $0x0  }
0x7d: {  	s3 =	rddreg [dreg:$0x2];
	[bflag:$0x3] =	sbarrier.arrive $0xFFFF;
	s2 =	simm.s32 @!p0 $0x1C01  }
0x7e: {  	[timem:s3], [sflag:s2] =	dma.local @!p0 [hbm:s0], s1  }
0x7f: {  	s0 =	simm.s32 @!p0 $0x1  }
0x80: {  	_ =	swait.ge @!p0 [sflag:s0], s1  }
0x81: {  	s1 =	ssub.s32 @!p0 $0x0, s1;
	[sflag:s0] =	ssyncset.done @!p0 $0x0  }
0x82: {  	[sflag:s0] =	ssyncadd.s32 @!p0 s1  }
0x83: {  	[bflag:$0x3] =	sbarrier.arrive $0xFFFF  }
0x84: {  	_ =	shalt  }

</sc_bundles>
